<compile_context>
chip_gen: v7x
topology: tpu7x:2x2x1
jax: 0.10.2.dev20260603
libtpu: 0.0.44.dev20260713+nightly
codegen_flags: <defaults>
</compile_context>

<pallas_src>
import functools

import jax
import jax.numpy as jnp
from jax import lax
from jax.experimental import pallas as pl
from jax.experimental.pallas import tpu as pltpu, tpu_sc as plsc

NC = 2
NS = 16
NW = NC * NS
GRP = 128


def _ceil_to(x, m):
    return (x + m - 1) // m * m


def _make_sc_agg(n_nodes_pad, n_groups):
    rows_per_tile = n_nodes_pad // NS

    mesh = plsc.VectorSubcoreMesh(
        core_axis_name="c", subcore_axis_name="s", num_cores=NC, num_subcores=NS
    )
    out_type = [jax.ShapeDtypeStruct((n_nodes_pad, 128), jnp.float32),
                jax.ShapeDtypeStruct((n_nodes_pad, 128), jnp.float32)]
    scratch = [
        pltpu.VMEM((n_groups, GRP), jnp.int32),
        pltpu.VMEM((n_groups, GRP), jnp.int32),
        pltpu.VMEM((GRP, 128), jnp.float32),
        pltpu.VMEM_SHARED((n_nodes_pad, 128), jnp.float32),
        pltpu.SemaphoreType.DMA,
    ]

    def body(table, src3d, dst3d, zrows_hbm, agg_out0, agg_out1,
             srci, dsti, rows, acc, sem):
        c = lax.axis_index("c")
        s = lax.axis_index("s")
        wid = c * NS + s

        base_r = s * rows_per_tile
        pltpu.sync_copy(zrows_hbm, acc.at[pl.ds(base_r, rows_per_tile)])
        pltpu.sync_copy(src3d.at[wid], srci)
        pltpu.sync_copy(dst3d.at[wid], dsti)
        plsc.subcore_barrier()

        def step(j, carry):
            pltpu.async_copy(table.at[srci.at[j]], rows, sem).wait()
            pltpu.sync_copy(rows, acc.at[dsti.at[j]], add=True)
            return carry

        lax.fori_loop(0, n_groups, step, 0)
        plsc.subcore_barrier()

        @pl.when(c == 0)
        def _():
            pltpu.sync_copy(acc.at[pl.ds(base_r, rows_per_tile)],
                            agg_out0.at[pl.ds(base_r, rows_per_tile)])

        @pl.when(c == 1)
        def _():
            pltpu.sync_copy(acc.at[pl.ds(base_r, rows_per_tile)],
                            agg_out1.at[pl.ds(base_r, rows_per_tile)])

    return pl.kernel(body, out_type=out_type, mesh=mesh, scratch_types=scratch)


def _make_sc_pair_gather(n_pairs_pad, n_groups):
    mesh = plsc.VectorSubcoreMesh(
        core_axis_name="c", subcore_axis_name="s", num_cores=NC, num_subcores=NS
    )
    out_type = [
        jax.ShapeDtypeStruct((n_pairs_pad, 128), jnp.float32),
        jax.ShapeDtypeStruct((n_pairs_pad, 128), jnp.float32),
    ]
    scratch = [
        pltpu.VMEM((n_groups, GRP), jnp.int32),
        pltpu.VMEM((n_groups, GRP), jnp.int32),
        pltpu.VMEM((GRP, 128), jnp.float32),
        pltpu.VMEM((GRP, 128), jnp.float32),
        pltpu.SemaphoreType.DMA,
        pltpu.SemaphoreType.DMA,
    ]
    per_worker = n_groups * GRP

    def body(u, v, p0, p1, gu, gv, p0i, p1i, rows0a, rows0b, sem0, sem1):
        c = lax.axis_index("c")
        s = lax.axis_index("s")
        wid = c * NS + s
        pltpu.sync_copy(p0.at[wid], p0i)
        pltpu.sync_copy(p1.at[wid], p1i)

        def step(j, carry):
            out_r = wid * per_worker + j * GRP
            cp0 = pltpu.async_copy(u.at[p0i.at[j]], rows0a, sem0)
            cp1 = pltpu.async_copy(v.at[p1i.at[j]], rows0b, sem1)
            cp0.wait()
            pltpu.sync_copy(rows0a, gu.at[pl.ds(out_r, GRP)])
            cp1.wait()
            pltpu.sync_copy(rows0b, gv.at[pl.ds(out_r, GRP)])
            return carry

        lax.fori_loop(0, n_groups, step, 0)

    return pl.kernel(body, out_type=out_type, mesh=mesh, scratch_types=scratch)



def _deg_body(dst_ref, H):
    i = pl.program_id(0)

    @pl.when(i == 0)
    def _():
        H[...] = jnp.zeros_like(H)

    d = dst_ref[...]
    ids = lax.broadcasted_iota(jnp.int32, (d.shape[0], 128), 1)
    oh_hi = ((d // 128) == ids).astype(jnp.bfloat16)
    oh_lo = ((d % 128) == ids).astype(jnp.bfloat16)
    H[...] += lax.dot_general(oh_hi, oh_lo, (((0,), (0,)), ((), ())),
                              preferred_element_type=jnp.float32)


def _tc_degree(dst_col, eb=8000):
    e = dst_col.shape[0]
    return pl.pallas_call(
        _deg_body,
        grid=(e // eb,),
        in_specs=[pl.BlockSpec((eb, 1), lambda i: (i, 0))],
        out_specs=pl.BlockSpec((128, 128), lambda i: (0, 0)),
        out_shape=jax.ShapeDtypeStruct((128, 128), jnp.float32),
    )(dst_col)


def _layer1_body(a0, a1, dcol, x, wl, wr, b, o):
    deg = jnp.maximum(dcol[...], 1.0)
    mean = (a0[...] + a1[...]) / deg
    acc = jnp.dot(mean, wl[...], preferred_element_type=jnp.float32)
    acc += jnp.dot(x[...], wr[...], preferred_element_type=jnp.float32)
    o[...] = jnp.maximum(acc + b[...], 0.0)


def _layer2_body(a0, a1, dcol, x, wl, wr, b, wsa, wsb, u, v):
    deg = jnp.maximum(dcol[...], 1.0)
    mean = (a0[...] + a1[...]) / deg
    acc = jnp.dot(mean, wl[...], preferred_element_type=jnp.float32)
    acc += jnp.dot(x[...], wr[...], preferred_element_type=jnp.float32)
    h2 = jnp.maximum(acc + b[...], 0.0)
    u[...] = jnp.dot(h2, wsa[...], preferred_element_type=jnp.float32)
    v[...] = jnp.dot(h2, wsb[...], preferred_element_type=jnp.float32)


def _score_body(gu, gv, bs1, ws2, bs2, o):
    z = jnp.maximum(gu[...] + gv[...] + bs1[...], 0.0)
    s = jnp.dot(z, ws2[...], preferred_element_type=jnp.float32) + bs2[...]
    o[...] = 1.0 / (1.0 + jnp.exp(-s))


def _row_spec(rb, cols):
    return pl.BlockSpec((rb, cols), lambda i: (i, 0))


def _full_spec(shape):
    return pl.BlockSpec(shape, lambda i: (0,) * len(shape))


def _tc_layer1(a0, a1, dcol, x, wl, wr, b, rb=1000):
    n = x.shape[0]
    return pl.pallas_call(
        _layer1_body,
        grid=(n // rb,),
        in_specs=[_row_spec(rb, 128), _row_spec(rb, 128), _row_spec(rb, 1),
                  _row_spec(rb, 128), _full_spec((128, 128)),
                  _full_spec((128, 128)), _full_spec((1, 128))],
        out_specs=_row_spec(rb, 128),
        out_shape=jax.ShapeDtypeStruct((n, 128), jnp.float32),
    )(a0, a1, dcol, x, wl, wr, b)


def _tc_layer2(a0, a1, dcol, x, wl, wr, b, wsa, wsb, rb=1000):
    n = x.shape[0]
    return pl.pallas_call(
        _layer2_body,
        grid=(n // rb,),
        in_specs=[_row_spec(rb, 128), _row_spec(rb, 128), _row_spec(rb, 1),
                  _row_spec(rb, 128), _full_spec((128, 128)),
                  _full_spec((128, 128)), _full_spec((1, 128)),
                  _full_spec((128, 128)), _full_spec((128, 128))],
        out_specs=[_row_spec(rb, 128), _row_spec(rb, 128)],
        out_shape=[jax.ShapeDtypeStruct((n, 128), jnp.float32),
                   jax.ShapeDtypeStruct((n, 128), jnp.float32)],
    )(a0, a1, dcol, x, wl, wr, b, wsa, wsb)


def _tc_score(gu, gv, n, bs1, ws2, bs2, rb=1000):
    return pl.pallas_call(
        _score_body,
        grid=(n // rb,),
        in_specs=[_row_spec(rb, 128), _row_spec(rb, 128), _full_spec((1, 128)),
                  _full_spec((128, 1)), _full_spec((1, 1))],
        out_specs=_row_spec(rb, 1),
        out_shape=jax.ShapeDtypeStruct((n, 1), jnp.float32),
    )(gu, gv, bs1, ws2, bs2)


def kernel(x, edge_index, pairs, Wl1, Wr1, b1, Wl2, Wr2, b2, Ws1, bs1, Ws2, bs2):
    n_nodes = x.shape[0]
    n_edges = edge_index.shape[1]
    n_pairs = pairs.shape[0]

    e_pad = _ceil_to(n_edges, NW * GRP)
    e_groups = e_pad // (NW * GRP)
    node_pad = _ceil_to(n_nodes + 1, NS * 8)
    p_pad = _ceil_to(n_pairs, NW * GRP)
    p_groups = p_pad // (NW * GRP)

    src = jnp.pad(edge_index[0].astype(jnp.int32), (0, e_pad - n_edges),
                  constant_values=0).reshape(NW, e_groups, GRP)
    dst = jnp.pad(edge_index[1].astype(jnp.int32), (0, e_pad - n_edges),
                  constant_values=n_nodes).reshape(NW, e_groups, GRP)
    p0 = jnp.pad(pairs[:, 0].astype(jnp.int32), (0, p_pad - n_pairs),
                 constant_values=0).reshape(NW, p_groups, GRP)
    p1 = jnp.pad(pairs[:, 1].astype(jnp.int32), (0, p_pad - n_pairs),
                 constant_values=0).reshape(NW, p_groups, GRP)

    rows_per_tile = node_pad // NS
    zrows_hbm = jnp.zeros((rows_per_tile, 128), jnp.float32)

    sc_agg = _make_sc_agg(node_pad, e_groups)
    sc_pairs = _make_sc_pair_gather(p_pad, p_groups)

    a0, a1 = sc_agg(x, src, dst, zrows_hbm)
    H = _tc_degree(edge_index[1].astype(jnp.int32).reshape(n_edges, 1))
    dcol = H.reshape(-1)[:n_nodes, None]

    b1r = b1.reshape(1, 128)
    h = _tc_layer1(a0, a1, dcol, x, Wl1, Wr1, b1r)

    a20, a21 = sc_agg(h, src, dst, zrows_hbm)
    u, v = _tc_layer2(a20, a21, dcol, h, Wl2, Wr2, b2.reshape(1, 128),
                      Ws1[:128], Ws1[128:])

    gu, gv = sc_pairs(u, v, p0, p1)
    s = _tc_score(gu, gv, n_pairs, bs1.reshape(1, 128), Ws2, bs2.reshape(1, 1))
    return s.squeeze(-1)

# --- scband reference (transcript-rebuilt; emitter-appended) ---
"""Pipeline reference for scband-sage-68582037782752 (READ-ONLY COPY).

The authoritative reference and input builder live on the scoring server;
editing this copy changes nothing except your own understanding.
"""

import jax, jax.numpy as jnp
import numpy as np

N_NODES = 10000
IN_DIM = 128
H = 128
N_EDGES = 320000
N_PAIRS = 100000


def setup_inputs(seed: int = 0) -> dict:
    key = jax.random.key(seed)
    ks = jax.random.split(key, 12)
    x = jax.random.normal(ks[0], (N_NODES, IN_DIM), dtype=jnp.float32)
    edge_index = jax.random.randint(ks[1], (2, N_EDGES), 0, N_NODES, dtype=jnp.int64)
    pairs = jax.random.randint(ks[2], (N_PAIRS, 2), 0, N_NODES, dtype=jnp.int64)
    s1 = 1.0 / np.sqrt(IN_DIM)
    s2 = 1.0 / np.sqrt(H)
    s3 = 1.0 / np.sqrt(2 * H)
    return {
        "x": x,
        "edge_index": edge_index,
        "pairs": pairs,
        "Wl1": jax.random.normal(ks[3], (IN_DIM, H), dtype=jnp.float32) * s1,
        "Wr1": jax.random.normal(ks[4], (IN_DIM, H), dtype=jnp.float32) * s1,
        "b1": jnp.zeros((H,), dtype=jnp.float32),
        "Wl2": jax.random.normal(ks[5], (H, H), dtype=jnp.float32) * s2,
        "Wr2": jax.random.normal(ks[6], (H, H), dtype=jnp.float32) * s2,
        "b2": jnp.zeros((H,), dtype=jnp.float32),
        "Ws1": jax.random.normal(ks[7], (2 * H, H), dtype=jnp.float32) * s3,
        "bs1": jnp.zeros((H,), dtype=jnp.float32),
        "Ws2": jax.random.normal(ks[8], (H, 1), dtype=jnp.float32) * s2,
        "bs2": jnp.zeros((1,), dtype=jnp.float32),
    }


def _sage_conv(x, edge_index, Wl, Wr, b):
    src = edge_index[0]
    dst = edge_index[1]
    msgs = x[src]
    agg = jax.ops.segment_sum(msgs, dst, num_segments=N_NODES)
    deg = jax.ops.segment_sum(jnp.ones((edge_index.shape[1],), dtype=x.dtype), dst, num_segments=N_NODES)
    mean = agg / jnp.clip(deg, 1.0, None)[:, None]
    return mean @ Wl + x @ Wr + b


def reference(x, edge_index, pairs, Wl1, Wr1, b1, Wl2, Wr2, b2, Ws1, bs1, Ws2, bs2):
    h = jax.nn.relu(_sage_conv(x, edge_index, Wl1, Wr1, b1))
    h = jax.nn.relu(_sage_conv(h, edge_index, Wl2, Wr2, b2))
    a = h[pairs[:, 0]]
    bb = h[pairs[:, 1]]
    z = jnp.concatenate([a, bb], axis=1)
    z = jax.nn.relu(z @ Ws1 + bs1)
    z = z @ Ws2 + bs2
    return jax.nn.sigmoid(z).squeeze(-1)

if __name__ == "__main__":
    import jax
    _d = setup_inputs()
    print(jax.jit(kernel)(*tuple(_d.values())))

</pallas_src>

<mosaic_0001>
#map = affine_map<(d0, d1) -> (0, 0)>
#map1 = affine_map<(d0, d1) -> (0, 0, 0)>
module attributes {stable_mosaic.version = 14 : i64} {
  func.func @body(%arg0: i32, %arg1: i32, %arg2: memref<10000x128xf32, #tpu.memory_space<hbm>>, %arg3: memref<32x79x128xi32, #tpu.memory_space<hbm>>, %arg4: memref<32x79x128xi32, #tpu.memory_space<hbm>>, %arg5: memref<632x128xf32, #tpu.memory_space<hbm>>, %arg6: memref<10112x128xf32, #tpu.memory_space<hbm>>, %arg7: memref<10112x128xf32, #tpu.memory_space<hbm>>, %arg8: memref<79x128xi32, #tpu.memory_space<vmem>>, %arg9: memref<79x128xi32, #tpu.memory_space<vmem>>, %arg10: memref<128x128xf32, #tpu.memory_space<vmem>>, %arg11: memref<10112x128xf32, #tpu.memory_space<vmem_shared>>, %arg12: memref<!tpu.dma_semaphore, #tpu.memory_space<semaphore_mem>>) attributes {dimension_semantics = [#tpu.dimension_semantics<core_parallel>, #tpu.dimension_semantics<subcore_parallel>], iteration_bounds = array<i64: 2, 16>, scalar_prefetch = 0 : i64, scratch_operands = 5 : i64, tpu.core_type = #tpu.core_type<sc_vector_subcore>, window_params = [{transform_indices = #map}, {transform_indices = #map1}, {transform_indices = #map1}, {transform_indices = #map}, {transform_indices = #map}, {transform_indices = #map}]} {
    %mul3A = arith.constant 16 : i32
    %mul3A_0 = arith.muli %arg0, %mul3A : i32
    %add3A = arith.addi %mul3A_0, %arg1 : i32
    %mul3A_1 = arith.constant 632 : i32
    %mul3A_2 = arith.muli %arg1, %mul3A_1 : i32
    "tpu.region"() ({
      %run_scoped3A = tpu.sem_alloc : memref<!tpu.dma_semaphore, #tpu.memory_space<semaphore_mem>>
      %dma_start3A = arith.constant 0 : i32
      %dma_start3A_16 = tpu.memref_slice %arg11[%mul3A_2, %dma_start3A] : memref<10112x128xf32, #tpu.memory_space<vmem_shared>> -> memref<632x128xf32, #tpu.memory_space<vmem_shared>>
      tpu.enqueue_dma source(%arg5 : memref<632x128xf32, #tpu.memory_space<hbm>>) target(%dma_start3A_16 : memref<632x128xf32, #tpu.memory_space<vmem_shared>>) target_semaphore(%run_scoped3A : memref<!tpu.dma_semaphore, #tpu.memory_space<semaphore_mem>>)
      %dma_wait3A = arith.constant 0 : i32
      %dma_wait3A_17 = tpu.memref_slice %arg11[%mul3A_2, %dma_wait3A] : memref<10112x128xf32, #tpu.memory_space<vmem_shared>> -> memref<632x128xf32, #tpu.memory_space<vmem_shared>>
      tpu.wait_dma2 semaphore(%run_scoped3A : memref<!tpu.dma_semaphore, #tpu.memory_space<semaphore_mem>>) src(%arg5 : memref<632x128xf32, #tpu.memory_space<hbm>>) dst(%dma_wait3A_17 : memref<632x128xf32, #tpu.memory_space<vmem_shared>>)
      tpu.yield
    }) : () -> ()
    "tpu.region"() ({
      %run_scoped3A = tpu.sem_alloc : memref<!tpu.dma_semaphore, #tpu.memory_space<semaphore_mem>>
      %dma_start3A = arith.constant 0 : i32
      %dma_start3A_16 = arith.constant 0 : i32
      %dma_start3A_17 = tpu.memref_slice %arg3[%add3A, %dma_start3A, %dma_start3A_16] : memref<32x79x128xi32, #tpu.memory_space<hbm>> -> memref<1x79x128xi32, #tpu.memory_space<hbm>>
      %dma_start3A_18 = tpu.memref_squeeze %dma_start3A_17 : memref<1x79x128xi32, #tpu.memory_space<hbm>> -> memref<79x128xi32, #tpu.memory_space<hbm>>
      %dma_start3A_19 = arith.constant 0 : i32
      %dma_start3A_20 = arith.constant 0 : i32
      %dma_start3A_21 = tpu.memref_slice %arg3[%add3A, %dma_start3A_19, %dma_start3A_20] : memref<32x79x128xi32, #tpu.memory_space<hbm>> -> memref<1x79x128xi32, #tpu.memory_space<hbm>>
      %dma_start3A_22 = tpu.memref_squeeze %dma_start3A_21 : memref<1x79x128xi32, #tpu.memory_space<hbm>> -> memref<79x128xi32, #tpu.memory_space<hbm>>
      tpu.enqueue_dma source(%dma_start3A_22 : memref<79x128xi32, #tpu.memory_space<hbm>>) target(%arg8 : memref<79x128xi32, #tpu.memory_space<vmem>>) target_semaphore(%run_scoped3A : memref<!tpu.dma_semaphore, #tpu.memory_space<semaphore_mem>>)
      %dma_wait3A = arith.constant 0 : i32
      %dma_wait3A_23 = arith.constant 0 : i32
      %dma_wait3A_24 = tpu.memref_slice %arg3[%add3A, %dma_wait3A, %dma_wait3A_23] : memref<32x79x128xi32, #tpu.memory_space<hbm>> -> memref<1x79x128xi32, #tpu.memory_space<hbm>>
      %dma_wait3A_25 = tpu.memref_squeeze %dma_wait3A_24 : memref<1x79x128xi32, #tpu.memory_space<hbm>> -> memref<79x128xi32, #tpu.memory_space<hbm>>
      %dma_wait3A_26 = arith.constant 0 : i32
      %dma_wait3A_27 = arith.constant 0 : i32
      %dma_wait3A_28 = tpu.memref_slice %arg3[%add3A, %dma_wait3A_26, %dma_wait3A_27] : memref<32x79x128xi32, #tpu.memory_space<hbm>> -> memref<1x79x128xi32, #tpu.memory_space<hbm>>
      %dma_wait3A_29 = tpu.memref_squeeze %dma_wait3A_28 : memref<1x79x128xi32, #tpu.memory_space<hbm>> -> memref<79x128xi32, #tpu.memory_space<hbm>>
      tpu.wait_dma2 semaphore(%run_scoped3A : memref<!tpu.dma_semaphore, #tpu.memory_space<semaphore_mem>>) src(%dma_wait3A_29 : memref<79x128xi32, #tpu.memory_space<hbm>>) dst(%arg8 : memref<79x128xi32, #tpu.memory_space<vmem>>)
      tpu.yield
    }) : () -> ()
    "tpu.region"() ({
      %run_scoped3A = tpu.sem_alloc : memref<!tpu.dma_semaphore, #tpu.memory_space<semaphore_mem>>
      %dma_start3A = arith.constant 0 : i32
      %dma_start3A_16 = arith.constant 0 : i32
      %dma_start3A_17 = tpu.memref_slice %arg4[%add3A, %dma_start3A, %dma_start3A_16] : memref<32x79x128xi32, #tpu.memory_space<hbm>> -> memref<1x79x128xi32, #tpu.memory_space<hbm>>
      %dma_start3A_18 = tpu.memref_squeeze %dma_start3A_17 : memref<1x79x128xi32, #tpu.memory_space<hbm>> -> memref<79x128xi32, #tpu.memory_space<hbm>>
      %dma_start3A_19 = arith.constant 0 : i32
      %dma_start3A_20 = arith.constant 0 : i32
      %dma_start3A_21 = tpu.memref_slice %arg4[%add3A, %dma_start3A_19, %dma_start3A_20] : memref<32x79x128xi32, #tpu.memory_space<hbm>> -> memref<1x79x128xi32, #tpu.memory_space<hbm>>
      %dma_start3A_22 = tpu.memref_squeeze %dma_start3A_21 : memref<1x79x128xi32, #tpu.memory_space<hbm>> -> memref<79x128xi32, #tpu.memory_space<hbm>>
      tpu.enqueue_dma source(%dma_start3A_22 : memref<79x128xi32, #tpu.memory_space<hbm>>) target(%arg9 : memref<79x128xi32, #tpu.memory_space<vmem>>) target_semaphore(%run_scoped3A : memref<!tpu.dma_semaphore, #tpu.memory_space<semaphore_mem>>)
      %dma_wait3A = arith.constant 0 : i32
      %dma_wait3A_23 = arith.constant 0 : i32
      %dma_wait3A_24 = tpu.memref_slice %arg4[%add3A, %dma_wait3A, %dma_wait3A_23] : memref<32x79x128xi32, #tpu.memory_space<hbm>> -> memref<1x79x128xi32, #tpu.memory_space<hbm>>
      %dma_wait3A_25 = tpu.memref_squeeze %dma_wait3A_24 : memref<1x79x128xi32, #tpu.memory_space<hbm>> -> memref<79x128xi32, #tpu.memory_space<hbm>>
      %dma_wait3A_26 = arith.constant 0 : i32
      %dma_wait3A_27 = arith.constant 0 : i32
      %dma_wait3A_28 = tpu.memref_slice %arg4[%add3A, %dma_wait3A_26, %dma_wait3A_27] : memref<32x79x128xi32, #tpu.memory_space<hbm>> -> memref<1x79x128xi32, #tpu.memory_space<hbm>>
      %dma_wait3A_29 = tpu.memref_squeeze %dma_wait3A_28 : memref<1x79x128xi32, #tpu.memory_space<hbm>> -> memref<79x128xi32, #tpu.memory_space<hbm>>
      tpu.wait_dma2 semaphore(%run_scoped3A : memref<!tpu.dma_semaphore, #tpu.memory_space<semaphore_mem>>) src(%dma_wait3A_29 : memref<79x128xi32, #tpu.memory_space<hbm>>) dst(%arg9 : memref<79x128xi32, #tpu.memory_space<vmem>>)
      tpu.yield
    }) : () -> ()
    %barrier3A = arith.constant 0 : index
    tpu.barrier barrier_id(%barrier3A)
    %scan3A = arith.constant 0 : i32
    %scan3A_3 = arith.constant 0 : i32
    %scan3A_4 = arith.constant 79 : i32
    %scan3A_5 = arith.addi %scan3A_3, %scan3A_4 : i32
    %scan3A_6 = arith.constant 1 : i32
    scf.for %scan3A_16 = %scan3A_3 to %scan3A_5 step %scan3A_6  : i32 {
      %dma_start3A = arith.constant 0 : i32
      %dma_start3A_17 = tpu.memref_slice %arg8[%scan3A_16, %dma_start3A] : memref<79x128xi32, #tpu.memory_space<vmem>> -> memref<1x128xi32, #tpu.memory_space<vmem>>
      %dma_start3A_18 = tpu.memref_squeeze %dma_start3A_17 : memref<1x128xi32, #tpu.memory_space<vmem>> -> memref<128xi32, #tpu.memory_space<vmem>>
      %dma_start3A_19 = arith.constant 0 : i32
      %dma_start3A_20 = arith.constant 0 : i32
      %dma_start3A_21 = tpu.memref_slice %arg2[%dma_start3A_19, %dma_start3A_20] : memref<10000x128xf32, #tpu.memory_space<hbm>> -> memref<10000x128xf32, #tpu.memory_space<hbm>>
      tpu.enqueue_indirect_dma source(%dma_start3A_21 : memref<10000x128xf32, #tpu.memory_space<hbm>>) target(%arg10 : memref<128x128xf32, #tpu.memory_space<vmem>>) offsets(%dma_start3A_18 : memref<128xi32, #tpu.memory_space<vmem>>) semaphore(%arg12 : memref<!tpu.dma_semaphore, #tpu.memory_space<semaphore_mem>>)
      %dma_wait3A = arith.constant 0 : i32
      %dma_wait3A_22 = tpu.memref_slice %arg8[%scan3A_16, %dma_wait3A] : memref<79x128xi32, #tpu.memory_space<vmem>> -> memref<1x128xi32, #tpu.memory_space<vmem>>
      %dma_wait3A_23 = tpu.memref_squeeze %dma_wait3A_22 : memref<1x128xi32, #tpu.memory_space<vmem>> -> memref<128xi32, #tpu.memory_space<vmem>>
      %dma_wait3A_24 = arith.constant 0 : i32
      %dma_wait3A_25 = arith.constant 0 : i32
      %dma_wait3A_26 = tpu.memref_slice %arg2[%dma_wait3A_24, %dma_wait3A_25] : memref<10000x128xf32, #tpu.memory_space<hbm>> -> memref<10000x128xf32, #tpu.memory_space<hbm>>
      tpu.wait_indirect_dma semaphore(%arg12 : memref<!tpu.dma_semaphore, #tpu.memory_space<semaphore_mem>>) src(%dma_wait3A_26 : memref<10000x128xf32, #tpu.memory_space<hbm>>) dst(%arg10 : memref<128x128xf32, #tpu.memory_space<vmem>>)
      "tpu.region"() ({
        %run_scoped3A = tpu.sem_alloc : memref<!tpu.dma_semaphore, #tpu.memory_space<semaphore_mem>>
        %dma_start3A_27 = arith.constant 0 : i32
        %dma_start3A_28 = tpu.memref_slice %arg9[%scan3A_16, %dma_start3A_27] : memref<79x128xi32, #tpu.memory_space<vmem>> -> memref<1x128xi32, #tpu.memory_space<vmem>>
        %dma_start3A_29 = tpu.memref_squeeze %dma_start3A_28 : memref<1x128xi32, #tpu.memory_space<vmem>> -> memref<128xi32, #tpu.memory_space<vmem>>
        %dma_start3A_30 = arith.constant 0 : i32
        %dma_start3A_31 = arith.constant 0 : i32
        %dma_start3A_32 = tpu.memref_slice %arg11[%dma_start3A_30, %dma_start3A_31] : memref<10112x128xf32, #tpu.memory_space<vmem_shared>> -> memref<10112x128xf32, #tpu.memory_space<vmem_shared>>
        tpu.enqueue_indirect_dma source(%arg10 : memref<128x128xf32, #tpu.memory_space<vmem>>) target(%dma_start3A_32 : memref<10112x128xf32, #tpu.memory_space<vmem_shared>>) offsets(%dma_start3A_29 : memref<128xi32, #tpu.memory_space<vmem>>) semaphore(%run_scoped3A : memref<!tpu.dma_semaphore, #tpu.memory_space<semaphore_mem>>) {add = true}
        %dma_wait3A_33 = arith.constant 0 : i32
        %dma_wait3A_34 = tpu.memref_slice %arg9[%scan3A_16, %dma_wait3A_33] : memref<79x128xi32, #tpu.memory_space<vmem>> -> memref<1x128xi32, #tpu.memory_space<vmem>>
        %dma_wait3A_35 = tpu.memref_squeeze %dma_wait3A_34 : memref<1x128xi32, #tpu.memory_space<vmem>> -> memref<128xi32, #tpu.memory_space<vmem>>
        %dma_wait3A_36 = arith.constant 0 : i32
        %dma_wait3A_37 = arith.constant 0 : i32
        %dma_wait3A_38 = tpu.memref_slice %arg11[%dma_wait3A_36, %dma_wait3A_37] : memref<10112x128xf32, #tpu.memory_space<vmem_shared>> -> memref<10112x128xf32, #tpu.memory_space<vmem_shared>>
        tpu.wait_indirect_dma semaphore(%run_scoped3A : memref<!tpu.dma_semaphore, #tpu.memory_space<semaphore_mem>>) src(%arg10 : memref<128x128xf32, #tpu.memory_space<vmem>>) dst(%dma_wait3A_38 : memref<10112x128xf32, #tpu.memory_space<vmem_shared>>)
        tpu.yield
      }) : () -> ()
    }
    %scan3A_7 = arith.constant 79 : i32
    %barrier3A_8 = arith.constant 0 : index
    tpu.barrier barrier_id(%barrier3A_8)
    %eq3A = arith.constant 0 : i32
    %eq3A_9 = arith.cmpi eq, %arg0, %eq3A : i32
    %convert_element_type3A = arith.extui %eq3A_9 : i1 to i32
    %cond3A = arith.constant 0 : i32
    %cond3A_10 = arith.cmpi ne, %convert_element_type3A, %cond3A : i32
    scf.if %cond3A_10 {
      "tpu.region"() ({
        %run_scoped3A = tpu.sem_alloc : memref<!tpu.dma_semaphore, #tpu.memory_space<semaphore_mem>>
        %dma_start3A = arith.constant 0 : i32
        %dma_start3A_16 = tpu.memref_slice %arg6[%mul3A_2, %dma_start3A] : memref<10112x128xf32, #tpu.memory_space<hbm>> -> memref<632x128xf32, #tpu.memory_space<hbm>>
        %dma_start3A_17 = arith.constant 0 : i32
        %dma_start3A_18 = tpu.memref_slice %arg11[%mul3A_2, %dma_start3A_17] : memref<10112x128xf32, #tpu.memory_space<vmem_shared>> -> memref<632x128xf32, #tpu.memory_space<vmem_shared>>
        tpu.enqueue_dma source(%dma_start3A_18 : memref<632x128xf32, #tpu.memory_space<vmem_shared>>) target(%dma_start3A_16 : memref<632x128xf32, #tpu.memory_space<hbm>>) target_semaphore(%run_scoped3A : memref<!tpu.dma_semaphore, #tpu.memory_space<semaphore_mem>>)
        %dma_wait3A = arith.constant 0 : i32
        %dma_wait3A_19 = tpu.memref_slice %arg6[%mul3A_2, %dma_wait3A] : memref<10112x128xf32, #tpu.memory_space<hbm>> -> memref<632x128xf32, #tpu.memory_space<hbm>>
        %dma_wait3A_20 = arith.constant 0 : i32
        %dma_wait3A_21 = tpu.memref_slice %arg11[%mul3A_2, %dma_wait3A_20] : memref<10112x128xf32, #tpu.memory_space<vmem_shared>> -> memref<632x128xf32, #tpu.memory_space<vmem_shared>>
        tpu.wait_dma2 semaphore(%run_scoped3A : memref<!tpu.dma_semaphore, #tpu.memory_space<semaphore_mem>>) src(%dma_wait3A_21 : memref<632x128xf32, #tpu.memory_space<vmem_shared>>) dst(%dma_wait3A_19 : memref<632x128xf32, #tpu.memory_space<hbm>>)
        tpu.yield
      }) : () -> ()
    } else {
    }
    %eq3A_11 = arith.constant 1 : i32
    %eq3A_12 = arith.cmpi eq, %arg0, %eq3A_11 : i32
    %convert_element_type3A_13 = arith.extui %eq3A_12 : i1 to i32
    %cond3A_14 = arith.constant 0 : i32
    %cond3A_15 = arith.cmpi ne, %convert_element_type3A_13, %cond3A_14 : i32
    scf.if %cond3A_15 {
      "tpu.region"() ({
        %run_scoped3A = tpu.sem_alloc : memref<!tpu.dma_semaphore, #tpu.memory_space<semaphore_mem>>
        %dma_start3A = arith.constant 0 : i32
        %dma_start3A_16 = tpu.memref_slice %arg7[%mul3A_2, %dma_start3A] : memref<10112x128xf32, #tpu.memory_space<hbm>> -> memref<632x128xf32, #tpu.memory_space<hbm>>
        %dma_start3A_17 = arith.constant 0 : i32
        %dma_start3A_18 = tpu.memref_slice %arg11[%mul3A_2, %dma_start3A_17] : memref<10112x128xf32, #tpu.memory_space<vmem_shared>> -> memref<632x128xf32, #tpu.memory_space<vmem_shared>>
        tpu.enqueue_dma source(%dma_start3A_18 : memref<632x128xf32, #tpu.memory_space<vmem_shared>>) target(%dma_start3A_16 : memref<632x128xf32, #tpu.memory_space<hbm>>) target_semaphore(%run_scoped3A : memref<!tpu.dma_semaphore, #tpu.memory_space<semaphore_mem>>)
        %dma_wait3A = arith.constant 0 : i32
        %dma_wait3A_19 = tpu.memref_slice %arg7[%mul3A_2, %dma_wait3A] : memref<10112x128xf32, #tpu.memory_space<hbm>> -> memref<632x128xf32, #tpu.memory_space<hbm>>
        %dma_wait3A_20 = arith.constant 0 : i32
        %dma_wait3A_21 = tpu.memref_slice %arg11[%mul3A_2, %dma_wait3A_20] : memref<10112x128xf32, #tpu.memory_space<vmem_shared>> -> memref<632x128xf32, #tpu.memory_space<vmem_shared>>
        tpu.wait_dma2 semaphore(%run_scoped3A : memref<!tpu.dma_semaphore, #tpu.memory_space<semaphore_mem>>) src(%dma_wait3A_21 : memref<632x128xf32, #tpu.memory_space<vmem_shared>>) dst(%dma_wait3A_19 : memref<632x128xf32, #tpu.memory_space<hbm>>)
        tpu.yield
      }) : () -> ()
    } else {
    }
    return
  }
}

#map = affine_map<(d0, d1) -> (0, 0)>
#map1 = affine_map<(d0, d1) -> (0, 0, 0)>
module attributes {stable_mosaic.version = 14 : i64} {
  func.func @body(%arg0: i32, %arg1: i32, %arg2: memref<10000x128xf32, #tpu.memory_space<hbm>>, %arg3: memref<10000x128xf32, #tpu.memory_space<hbm>>, %arg4: memref<32x25x128xi32, #tpu.memory_space<hbm>>, %arg5: memref<32x25x128xi32, #tpu.memory_space<hbm>>, %arg6: memref<102400x128xf32, #tpu.memory_space<hbm>>, %arg7: memref<102400x128xf32, #tpu.memory_space<hbm>>, %arg8: memref<25x128xi32, #tpu.memory_space<vmem>>, %arg9: memref<25x128xi32, #tpu.memory_space<vmem>>, %arg10: memref<128x128xf32, #tpu.memory_space<vmem>>, %arg11: memref<128x128xf32, #tpu.memory_space<vmem>>, %arg12: memref<!tpu.dma_semaphore, #tpu.memory_space<semaphore_mem>>, %arg13: memref<!tpu.dma_semaphore, #tpu.memory_space<semaphore_mem>>) attributes {dimension_semantics = [#tpu.dimension_semantics<core_parallel>, #tpu.dimension_semantics<subcore_parallel>], iteration_bounds = array<i64: 2, 16>, scalar_prefetch = 0 : i64, scratch_operands = 6 : i64, tpu.core_type = #tpu.core_type<sc_vector_subcore>, window_params = [{transform_indices = #map}, {transform_indices = #map}, {transform_indices = #map1}, {transform_indices = #map1}, {transform_indices = #map}, {transform_indices = #map}]} {
    %mul3A = arith.constant 16 : i32
    %mul3A_0 = arith.muli %arg0, %mul3A : i32
    %add3A = arith.addi %mul3A_0, %arg1 : i32
    "tpu.region"() ({
      %run_scoped3A = tpu.sem_alloc : memref<!tpu.dma_semaphore, #tpu.memory_space<semaphore_mem>>
      %dma_start3A = arith.constant 0 : i32
      %dma_start3A_6 = arith.constant 0 : i32
      %dma_start3A_7 = tpu.memref_slice %arg4[%add3A, %dma_start3A, %dma_start3A_6] : memref<32x25x128xi32, #tpu.memory_space<hbm>> -> memref<1x25x128xi32, #tpu.memory_space<hbm>>
      %dma_start3A_8 = tpu.memref_squeeze %dma_start3A_7 : memref<1x25x128xi32, #tpu.memory_space<hbm>> -> memref<25x128xi32, #tpu.memory_space<hbm>>
      %dma_start3A_9 = arith.constant 0 : i32
      %dma_start3A_10 = arith.constant 0 : i32
      %dma_start3A_11 = tpu.memref_slice %arg4[%add3A, %dma_start3A_9, %dma_start3A_10] : memref<32x25x128xi32, #tpu.memory_space<hbm>> -> memref<1x25x128xi32, #tpu.memory_space<hbm>>
      %dma_start3A_12 = tpu.memref_squeeze %dma_start3A_11 : memref<1x25x128xi32, #tpu.memory_space<hbm>> -> memref<25x128xi32, #tpu.memory_space<hbm>>
      tpu.enqueue_dma source(%dma_start3A_12 : memref<25x128xi32, #tpu.memory_space<hbm>>) target(%arg8 : memref<25x128xi32, #tpu.memory_space<vmem>>) target_semaphore(%run_scoped3A : memref<!tpu.dma_semaphore, #tpu.memory_space<semaphore_mem>>)
      %dma_wait3A = arith.constant 0 : i32
      %dma_wait3A_13 = arith.constant 0 : i32
      %dma_wait3A_14 = tpu.memref_slice %arg4[%add3A, %dma_wait3A, %dma_wait3A_13] : memref<32x25x128xi32, #tpu.memory_space<hbm>> -> memref<1x25x128xi32, #tpu.memory_space<hbm>>
      %dma_wait3A_15 = tpu.memref_squeeze %dma_wait3A_14 : memref<1x25x128xi32, #tpu.memory_space<hbm>> -> memref<25x128xi32, #tpu.memory_space<hbm>>
      %dma_wait3A_16 = arith.constant 0 : i32
      %dma_wait3A_17 = arith.constant 0 : i32
      %dma_wait3A_18 = tpu.memref_slice %arg4[%add3A, %dma_wait3A_16, %dma_wait3A_17] : memref<32x25x128xi32, #tpu.memory_space<hbm>> -> memref<1x25x128xi32, #tpu.memory_space<hbm>>
      %dma_wait3A_19 = tpu.memref_squeeze %dma_wait3A_18 : memref<1x25x128xi32, #tpu.memory_space<hbm>> -> memref<25x128xi32, #tpu.memory_space<hbm>>
      tpu.wait_dma2 semaphore(%run_scoped3A : memref<!tpu.dma_semaphore, #tpu.memory_space<semaphore_mem>>) src(%dma_wait3A_19 : memref<25x128xi32, #tpu.memory_space<hbm>>) dst(%arg8 : memref<25x128xi32, #tpu.memory_space<vmem>>)
      tpu.yield
    }) : () -> ()
    "tpu.region"() ({
      %run_scoped3A = tpu.sem_alloc : memref<!tpu.dma_semaphore, #tpu.memory_space<semaphore_mem>>
      %dma_start3A = arith.constant 0 : i32
      %dma_start3A_6 = arith.constant 0 : i32
      %dma_start3A_7 = tpu.memref_slice %arg5[%add3A, %dma_start3A, %dma_start3A_6] : memref<32x25x128xi32, #tpu.memory_space<hbm>> -> memref<1x25x128xi32, #tpu.memory_space<hbm>>
      %dma_start3A_8 = tpu.memref_squeeze %dma_start3A_7 : memref<1x25x128xi32, #tpu.memory_space<hbm>> -> memref<25x128xi32, #tpu.memory_space<hbm>>
      %dma_start3A_9 = arith.constant 0 : i32
      %dma_start3A_10 = arith.constant 0 : i32
      %dma_start3A_11 = tpu.memref_slice %arg5[%add3A, %dma_start3A_9, %dma_start3A_10] : memref<32x25x128xi32, #tpu.memory_space<hbm>> -> memref<1x25x128xi32, #tpu.memory_space<hbm>>
      %dma_start3A_12 = tpu.memref_squeeze %dma_start3A_11 : memref<1x25x128xi32, #tpu.memory_space<hbm>> -> memref<25x128xi32, #tpu.memory_space<hbm>>
      tpu.enqueue_dma source(%dma_start3A_12 : memref<25x128xi32, #tpu.memory_space<hbm>>) target(%arg9 : memref<25x128xi32, #tpu.memory_space<vmem>>) target_semaphore(%run_scoped3A : memref<!tpu.dma_semaphore, #tpu.memory_space<semaphore_mem>>)
      %dma_wait3A = arith.constant 0 : i32
      %dma_wait3A_13 = arith.constant 0 : i32
      %dma_wait3A_14 = tpu.memref_slice %arg5[%add3A, %dma_wait3A, %dma_wait3A_13] : memref<32x25x128xi32, #tpu.memory_space<hbm>> -> memref<1x25x128xi32, #tpu.memory_space<hbm>>
      %dma_wait3A_15 = tpu.memref_squeeze %dma_wait3A_14 : memref<1x25x128xi32, #tpu.memory_space<hbm>> -> memref<25x128xi32, #tpu.memory_space<hbm>>
      %dma_wait3A_16 = arith.constant 0 : i32
      %dma_wait3A_17 = arith.constant 0 : i32
      %dma_wait3A_18 = tpu.memref_slice %arg5[%add3A, %dma_wait3A_16, %dma_wait3A_17] : memref<32x25x128xi32, #tpu.memory_space<hbm>> -> memref<1x25x128xi32, #tpu.memory_space<hbm>>
      %dma_wait3A_19 = tpu.memref_squeeze %dma_wait3A_18 : memref<1x25x128xi32, #tpu.memory_space<hbm>> -> memref<25x128xi32, #tpu.memory_space<hbm>>
      tpu.wait_dma2 semaphore(%run_scoped3A : memref<!tpu.dma_semaphore, #tpu.memory_space<semaphore_mem>>) src(%dma_wait3A_19 : memref<25x128xi32, #tpu.memory_space<hbm>>) dst(%arg9 : memref<25x128xi32, #tpu.memory_space<vmem>>)
      tpu.yield
    }) : () -> ()
    %scan3A = arith.constant 0 : i32
    %scan3A_1 = arith.constant 0 : i32
    %scan3A_2 = arith.constant 25 : i32
    %scan3A_3 = arith.addi %scan3A_1, %scan3A_2 : i32
    %scan3A_4 = arith.constant 1 : i32
    scf.for %scan3A_6 = %scan3A_1 to %scan3A_3 step %scan3A_4  : i32 {
      %mul3A_7 = arith.constant 3200 : i32
      %mul3A_8 = arith.muli %add3A, %mul3A_7 : i32
      %mul3A_9 = arith.constant 128 : i32
      %mul3A_10 = arith.muli %scan3A_6, %mul3A_9 : i32
      %add3A_11 = arith.addi %mul3A_8, %mul3A_10 : i32
      %dma_start3A = arith.constant 0 : i32
      %dma_start3A_12 = tpu.memref_slice %arg8[%scan3A_6, %dma_start3A] : memref<25x128xi32, #tpu.memory_space<vmem>> -> memref<1x128xi32, #tpu.memory_space<vmem>>
      %dma_start3A_13 = tpu.memref_squeeze %dma_start3A_12 : memref<1x128xi32, #tpu.memory_space<vmem>> -> memref<128xi32, #tpu.memory_space<vmem>>
      %dma_start3A_14 = arith.constant 0 : i32
      %dma_start3A_15 = arith.constant 0 : i32
      %dma_start3A_16 = tpu.memref_slice %arg2[%dma_start3A_14, %dma_start3A_15] : memref<10000x128xf32, #tpu.memory_space<hbm>> -> memref<10000x128xf32, #tpu.memory_space<hbm>>
      tpu.enqueue_indirect_dma source(%dma_start3A_16 : memref<10000x128xf32, #tpu.memory_space<hbm>>) target(%arg10 : memref<128x128xf32, #tpu.memory_space<vmem>>) offsets(%dma_start3A_13 : memref<128xi32, #tpu.memory_space<vmem>>) semaphore(%arg12 : memref<!tpu.dma_semaphore, #tpu.memory_space<semaphore_mem>>)
      %dma_start3A_17 = arith.constant 0 : i32
      %dma_start3A_18 = tpu.memref_slice %arg9[%scan3A_6, %dma_start3A_17] : memref<25x128xi32, #tpu.memory_space<vmem>> -> memref<1x128xi32, #tpu.memory_space<vmem>>
      %dma_start3A_19 = tpu.memref_squeeze %dma_start3A_18 : memref<1x128xi32, #tpu.memory_space<vmem>> -> memref<128xi32, #tpu.memory_space<vmem>>
      %dma_start3A_20 = arith.constant 0 : i32
      %dma_start3A_21 = arith.constant 0 : i32
      %dma_start3A_22 = tpu.memref_slice %arg3[%dma_start3A_20, %dma_start3A_21] : memref<10000x128xf32, #tpu.memory_space<hbm>> -> memref<10000x128xf32, #tpu.memory_space<hbm>>
      tpu.enqueue_indirect_dma source(%dma_start3A_22 : memref<10000x128xf32, #tpu.memory_space<hbm>>) target(%arg11 : memref<128x128xf32, #tpu.memory_space<vmem>>) offsets(%dma_start3A_19 : memref<128xi32, #tpu.memory_space<vmem>>) semaphore(%arg13 : memref<!tpu.dma_semaphore, #tpu.memory_space<semaphore_mem>>)
      %dma_wait3A = arith.constant 0 : i32
      %dma_wait3A_23 = tpu.memref_slice %arg8[%scan3A_6, %dma_wait3A] : memref<25x128xi32, #tpu.memory_space<vmem>> -> memref<1x128xi32, #tpu.memory_space<vmem>>
      %dma_wait3A_24 = tpu.memref_squeeze %dma_wait3A_23 : memref<1x128xi32, #tpu.memory_space<vmem>> -> memref<128xi32, #tpu.memory_space<vmem>>
      %dma_wait3A_25 = arith.constant 0 : i32
      %dma_wait3A_26 = arith.constant 0 : i32
      %dma_wait3A_27 = tpu.memref_slice %arg2[%dma_wait3A_25, %dma_wait3A_26] : memref<10000x128xf32, #tpu.memory_space<hbm>> -> memref<10000x128xf32, #tpu.memory_space<hbm>>
      tpu.wait_indirect_dma semaphore(%arg12 : memref<!tpu.dma_semaphore, #tpu.memory_space<semaphore_mem>>) src(%dma_wait3A_27 : memref<10000x128xf32, #tpu.memory_space<hbm>>) dst(%arg10 : memref<128x128xf32, #tpu.memory_space<vmem>>)
      "tpu.region"() ({
        %run_scoped3A = tpu.sem_alloc : memref<!tpu.dma_semaphore, #tpu.memory_space<semaphore_mem>>
        %dma_start3A_34 = arith.constant 0 : i32
        %dma_start3A_35 = tpu.memref_slice %arg6[%add3A_11, %dma_start3A_34] : memref<102400x128xf32, #tpu.memory_space<hbm>> -> memref<128x128xf32, #tpu.memory_space<hbm>>
        %dma_start3A_36 = arith.constant 0 : i32
        %dma_start3A_37 = tpu.memref_slice %arg6[%add3A_11, %dma_start3A_36] : memref<102400x128xf32, #tpu.memory_space<hbm>> -> memref<128x128xf32, #tpu.memory_space<hbm>>
        tpu.enqueue_dma source(%arg10 : memref<128x128xf32, #tpu.memory_space<vmem>>) target(%dma_start3A_37 : memref<128x128xf32, #tpu.memory_space<hbm>>) target_semaphore(%run_scoped3A : memref<!tpu.dma_semaphore, #tpu.memory_space<semaphore_mem>>)
        %dma_wait3A_38 = arith.constant 0 : i32
        %dma_wait3A_39 = tpu.memref_slice %arg6[%add3A_11, %dma_wait3A_38] : memref<102400x128xf32, #tpu.memory_space<hbm>> -> memref<128x128xf32, #tpu.memory_space<hbm>>
        %dma_wait3A_40 = arith.constant 0 : i32
        %dma_wait3A_41 = tpu.memref_slice %arg6[%add3A_11, %dma_wait3A_40] : memref<102400x128xf32, #tpu.memory_space<hbm>> -> memref<128x128xf32, #tpu.memory_space<hbm>>
        tpu.wait_dma2 semaphore(%run_scoped3A : memref<!tpu.dma_semaphore, #tpu.memory_space<semaphore_mem>>) src(%arg10 : memref<128x128xf32, #tpu.memory_space<vmem>>) dst(%dma_wait3A_41 : memref<128x128xf32, #tpu.memory_space<hbm>>)
        tpu.yield
      }) : () -> ()
      %dma_wait3A_28 = arith.constant 0 : i32
      %dma_wait3A_29 = tpu.memref_slice %arg9[%scan3A_6, %dma_wait3A_28] : memref<25x128xi32, #tpu.memory_space<vmem>> -> memref<1x128xi32, #tpu.memory_space<vmem>>
      %dma_wait3A_30 = tpu.memref_squeeze %dma_wait3A_29 : memref<1x128xi32, #tpu.memory_space<vmem>> -> memref<128xi32, #tpu.memory_space<vmem>>
      %dma_wait3A_31 = arith.constant 0 : i32
      %dma_wait3A_32 = arith.constant 0 : i32
      %dma_wait3A_33 = tpu.memref_slice %arg3[%dma_wait3A_31, %dma_wait3A_32] : memref<10000x128xf32, #tpu.memory_space<hbm>> -> memref<10000x128xf32, #tpu.memory_space<hbm>>
      tpu.wait_indirect_dma semaphore(%arg13 : memref<!tpu.dma_semaphore, #tpu.memory_space<semaphore_mem>>) src(%dma_wait3A_33 : memref<10000x128xf32, #tpu.memory_space<hbm>>) dst(%arg11 : memref<128x128xf32, #tpu.memory_space<vmem>>)
      "tpu.region"() ({
        %run_scoped3A = tpu.sem_alloc : memref<!tpu.dma_semaphore, #tpu.memory_space<semaphore_mem>>
        %dma_start3A_34 = arith.constant 0 : i32
        %dma_start3A_35 = tpu.memref_slice %arg7[%add3A_11, %dma_start3A_34] : memref<102400x128xf32, #tpu.memory_space<hbm>> -> memref<128x128xf32, #tpu.memory_space<hbm>>
        %dma_start3A_36 = arith.constant 0 : i32
        %dma_start3A_37 = tpu.memref_slice %arg7[%add3A_11, %dma_start3A_36] : memref<102400x128xf32, #tpu.memory_space<hbm>> -> memref<128x128xf32, #tpu.memory_space<hbm>>
        tpu.enqueue_dma source(%arg11 : memref<128x128xf32, #tpu.memory_space<vmem>>) target(%dma_start3A_37 : memref<128x128xf32, #tpu.memory_space<hbm>>) target_semaphore(%run_scoped3A : memref<!tpu.dma_semaphore, #tpu.memory_space<semaphore_mem>>)
        %dma_wait3A_38 = arith.constant 0 : i32
        %dma_wait3A_39 = tpu.memref_slice %arg7[%add3A_11, %dma_wait3A_38] : memref<102400x128xf32, #tpu.memory_space<hbm>> -> memref<128x128xf32, #tpu.memory_space<hbm>>
        %dma_wait3A_40 = arith.constant 0 : i32
        %dma_wait3A_41 = tpu.memref_slice %arg7[%add3A_11, %dma_wait3A_40] : memref<102400x128xf32, #tpu.memory_space<hbm>> -> memref<128x128xf32, #tpu.memory_space<hbm>>
        tpu.wait_dma2 semaphore(%run_scoped3A : memref<!tpu.dma_semaphore, #tpu.memory_space<semaphore_mem>>) src(%arg11 : memref<128x128xf32, #tpu.memory_space<vmem>>) dst(%dma_wait3A_41 : memref<128x128xf32, #tpu.memory_space<hbm>>)
        tpu.yield
      }) : () -> ()
    }
    %scan3A_5 = arith.constant 25 : i32
    return
  }
}

#map = affine_map<(d0, d1) -> (0, 0)>
#map1 = affine_map<(d0, d1) -> (0, 0, 0)>
module attributes {stable_mosaic.version = 14 : i64} {
  func.func @body(%arg0: i32, %arg1: i32, %arg2: memref<10000x128xf32, #tpu.memory_space<hbm>>, %arg3: memref<32x79x128xi32, #tpu.memory_space<hbm>>, %arg4: memref<32x79x128xi32, #tpu.memory_space<hbm>>, %arg5: memref<632x128xf32, #tpu.memory_space<hbm>>, %arg6: memref<10112x128xf32, #tpu.memory_space<hbm>>, %arg7: memref<10112x128xf32, #tpu.memory_space<hbm>>, %arg8: memref<79x128xi32, #tpu.memory_space<vmem>>, %arg9: memref<79x128xi32, #tpu.memory_space<vmem>>, %arg10: memref<128x128xf32, #tpu.memory_space<vmem>>, %arg11: memref<10112x128xf32, #tpu.memory_space<vmem_shared>>, %arg12: memref<!tpu.dma_semaphore, #tpu.memory_space<semaphore_mem>>) attributes {dimension_semantics = [#tpu.dimension_semantics<core_parallel>, #tpu.dimension_semantics<subcore_parallel>], iteration_bounds = array<i64: 2, 16>, scalar_prefetch = 0 : i64, scratch_operands = 5 : i64, tpu.core_type = #tpu.core_type<sc_vector_subcore>, window_params = [{transform_indices = #map}, {transform_indices = #map1}, {transform_indices = #map1}, {transform_indices = #map}, {transform_indices = #map}, {transform_indices = #map}]} {
    %mul3A = arith.constant 16 : i32
    %mul3A_0 = arith.muli %arg0, %mul3A : i32
    %add3A = arith.addi %mul3A_0, %arg1 : i32
    %mul3A_1 = arith.constant 632 : i32
    %mul3A_2 = arith.muli %arg1, %mul3A_1 : i32
    "tpu.region"() ({
      %run_scoped3A = tpu.sem_alloc : memref<!tpu.dma_semaphore, #tpu.memory_space<semaphore_mem>>
      %dma_start3A = arith.constant 0 : i32
      %dma_start3A_16 = tpu.memref_slice %arg11[%mul3A_2, %dma_start3A] : memref<10112x128xf32, #tpu.memory_space<vmem_shared>> -> memref<632x128xf32, #tpu.memory_space<vmem_shared>>
      tpu.enqueue_dma source(%arg5 : memref<632x128xf32, #tpu.memory_space<hbm>>) target(%dma_start3A_16 : memref<632x128xf32, #tpu.memory_space<vmem_shared>>) target_semaphore(%run_scoped3A : memref<!tpu.dma_semaphore, #tpu.memory_space<semaphore_mem>>)
      %dma_wait3A = arith.constant 0 : i32
      %dma_wait3A_17 = tpu.memref_slice %arg11[%mul3A_2, %dma_wait3A] : memref<10112x128xf32, #tpu.memory_space<vmem_shared>> -> memref<632x128xf32, #tpu.memory_space<vmem_shared>>
      tpu.wait_dma2 semaphore(%run_scoped3A : memref<!tpu.dma_semaphore, #tpu.memory_space<semaphore_mem>>) src(%arg5 : memref<632x128xf32, #tpu.memory_space<hbm>>) dst(%dma_wait3A_17 : memref<632x128xf32, #tpu.memory_space<vmem_shared>>)
      tpu.yield
    }) : () -> ()
    "tpu.region"() ({
      %run_scoped3A = tpu.sem_alloc : memref<!tpu.dma_semaphore, #tpu.memory_space<semaphore_mem>>
      %dma_start3A = arith.constant 0 : i32
      %dma_start3A_16 = arith.constant 0 : i32
      %dma_start3A_17 = tpu.memref_slice %arg3[%add3A, %dma_start3A, %dma_start3A_16] : memref<32x79x128xi32, #tpu.memory_space<hbm>> -> memref<1x79x128xi32, #tpu.memory_space<hbm>>
      %dma_start3A_18 = tpu.memref_squeeze %dma_start3A_17 : memref<1x79x128xi32, #tpu.memory_space<hbm>> -> memref<79x128xi32, #tpu.memory_space<hbm>>
      %dma_start3A_19 = arith.constant 0 : i32
      %dma_start3A_20 = arith.constant 0 : i32
      %dma_start3A_21 = tpu.memref_slice %arg3[%add3A, %dma_start3A_19, %dma_start3A_20] : memref<32x79x128xi32, #tpu.memory_space<hbm>> -> memref<1x79x128xi32, #tpu.memory_space<hbm>>
      %dma_start3A_22 = tpu.memref_squeeze %dma_start3A_21 : memref<1x79x128xi32, #tpu.memory_space<hbm>> -> memref<79x128xi32, #tpu.memory_space<hbm>>
      tpu.enqueue_dma source(%dma_start3A_22 : memref<79x128xi32, #tpu.memory_space<hbm>>) target(%arg8 : memref<79x128xi32, #tpu.memory_space<vmem>>) target_semaphore(%run_scoped3A : memref<!tpu.dma_semaphore, #tpu.memory_space<semaphore_mem>>)
      %dma_wait3A = arith.constant 0 : i32
      %dma_wait3A_23 = arith.constant 0 : i32
      %dma_wait3A_24 = tpu.memref_slice %arg3[%add3A, %dma_wait3A, %dma_wait3A_23] : memref<32x79x128xi32, #tpu.memory_space<hbm>> -> memref<1x79x128xi32, #tpu.memory_space<hbm>>
      %dma_wait3A_25 = tpu.memref_squeeze %dma_wait3A_24 : memref<1x79x128xi32, #tpu.memory_space<hbm>> -> memref<79x128xi32, #tpu.memory_space<hbm>>
      %dma_wait3A_26 = arith.constant 0 : i32
      %dma_wait3A_27 = arith.constant 0 : i32
      %dma_wait3A_28 = tpu.memref_slice %arg3[%add3A, %dma_wait3A_26, %dma_wait3A_27] : memref<32x79x128xi32, #tpu.memory_space<hbm>> -> memref<1x79x128xi32, #tpu.memory_space<hbm>>
      %dma_wait3A_29 = tpu.memref_squeeze %dma_wait3A_28 : memref<1x79x128xi32, #tpu.memory_space<hbm>> -> memref<79x128xi32, #tpu.memory_space<hbm>>
      tpu.wait_dma2 semaphore(%run_scoped3A : memref<!tpu.dma_semaphore, #tpu.memory_space<semaphore_mem>>) src(%dma_wait3A_29 : memref<79x128xi32, #tpu.memory_space<hbm>>) dst(%arg8 : memref<79x128xi32, #tpu.memory_space<vmem>>)
      tpu.yield
    }) : () -> ()
    "tpu.region"() ({
      %run_scoped3A = tpu.sem_alloc : memref<!tpu.dma_semaphore, #tpu.memory_space<semaphore_mem>>
      %dma_start3A = arith.constant 0 : i32
      %dma_start3A_16 = arith.constant 0 : i32
      %dma_start3A_17 = tpu.memref_slice %arg4[%add3A, %dma_start3A, %dma_start3A_16] : memref<32x79x128xi32, #tpu.memory_space<hbm>> -> memref<1x79x128xi32, #tpu.memory_space<hbm>>
      %dma_start3A_18 = tpu.memref_squeeze %dma_start3A_17 : memref<1x79x128xi32, #tpu.memory_space<hbm>> -> memref<79x128xi32, #tpu.memory_space<hbm>>
      %dma_start3A_19 = arith.constant 0 : i32
      %dma_start3A_20 = arith.constant 0 : i32
      %dma_start3A_21 = tpu.memref_slice %arg4[%add3A, %dma_start3A_19, %dma_start3A_20] : memref<32x79x128xi32, #tpu.memory_space<hbm>> -> memref<1x79x128xi32, #tpu.memory_space<hbm>>
      %dma_start3A_22 = tpu.memref_squeeze %dma_start3A_21 : memref<1x79x128xi32, #tpu.memory_space<hbm>> -> memref<79x128xi32, #tpu.memory_space<hbm>>
      tpu.enqueue_dma source(%dma_start3A_22 : memref<79x128xi32, #tpu.memory_space<hbm>>) target(%arg9 : memref<79x128xi32, #tpu.memory_space<vmem>>) target_semaphore(%run_scoped3A : memref<!tpu.dma_semaphore, #tpu.memory_space<semaphore_mem>>)
      %dma_wait3A = arith.constant 0 : i32
      %dma_wait3A_23 = arith.constant 0 : i32
      %dma_wait3A_24 = tpu.memref_slice %arg4[%add3A, %dma_wait3A, %dma_wait3A_23] : memref<32x79x128xi32, #tpu.memory_space<hbm>> -> memref<1x79x128xi32, #tpu.memory_space<hbm>>
      %dma_wait3A_25 = tpu.memref_squeeze %dma_wait3A_24 : memref<1x79x128xi32, #tpu.memory_space<hbm>> -> memref<79x128xi32, #tpu.memory_space<hbm>>
      %dma_wait3A_26 = arith.constant 0 : i32
      %dma_wait3A_27 = arith.constant 0 : i32
      %dma_wait3A_28 = tpu.memref_slice %arg4[%add3A, %dma_wait3A_26, %dma_wait3A_27] : memref<32x79x128xi32, #tpu.memory_space<hbm>> -> memref<1x79x128xi32, #tpu.memory_space<hbm>>
      %dma_wait3A_29 = tpu.memref_squeeze %dma_wait3A_28 : memref<1x79x128xi32, #tpu.memory_space<hbm>> -> memref<79x128xi32, #tpu.memory_space<hbm>>
      tpu.wait_dma2 semaphore(%run_scoped3A : memref<!tpu.dma_semaphore, #tpu.memory_space<semaphore_mem>>) src(%dma_wait3A_29 : memref<79x128xi32, #tpu.memory_space<hbm>>) dst(%arg9 : memref<79x128xi32, #tpu.memory_space<vmem>>)
      tpu.yield
    }) : () -> ()
    %barrier3A = arith.constant 0 : index
    tpu.barrier barrier_id(%barrier3A)
    %scan3A = arith.constant 0 : i32
    %scan3A_3 = arith.constant 0 : i32
    %scan3A_4 = arith.constant 79 : i32
    %scan3A_5 = arith.addi %scan3A_3, %scan3A_4 : i32
    %scan3A_6 = arith.constant 1 : i32
    scf.for %scan3A_16 = %scan3A_3 to %scan3A_5 step %scan3A_6  : i32 {
      %dma_start3A = arith.constant 0 : i32
      %dma_start3A_17 = tpu.memref_slice %arg8[%scan3A_16, %dma_start3A] : memref<79x128xi32, #tpu.memory_space<vmem>> -> memref<1x128xi32, #tpu.memory_space<vmem>>
      %dma_start3A_18 = tpu.memref_squeeze %dma_start3A_17 : memref<1x128xi32, #tpu.memory_space<vmem>> -> memref<128xi32, #tpu.memory_space<vmem>>
      %dma_start3A_19 = arith.constant 0 : i32
      %dma_start3A_20 = arith.constant 0 : i32
      %dma_start3A_21 = tpu.memref_slice %arg2[%dma_start3A_19, %dma_start3A_20] : memref<10000x128xf32, #tpu.memory_space<hbm>> -> memref<10000x128xf32, #tpu.memory_space<hbm>>
      tpu.enqueue_indirect_dma source(%dma_start3A_21 : memref<10000x128xf32, #tpu.memory_space<hbm>>) target(%arg10 : memref<128x128xf32, #tpu.memory_space<vmem>>) offsets(%dma_start3A_18 : memref<128xi32, #tpu.memory_space<vmem>>) semaphore(%arg12 : memref<!tpu.dma_semaphore, #tpu.memory_space<semaphore_mem>>)
      %dma_wait3A = arith.constant 0 : i32
      %dma_wait3A_22 = tpu.memref_slice %arg8[%scan3A_16, %dma_wait3A] : memref<79x128xi32, #tpu.memory_space<vmem>> -> memref<1x128xi32, #tpu.memory_space<vmem>>
      %dma_wait3A_23 = tpu.memref_squeeze %dma_wait3A_22 : memref<1x128xi32, #tpu.memory_space<vmem>> -> memref<128xi32, #tpu.memory_space<vmem>>
      %dma_wait3A_24 = arith.constant 0 : i32
      %dma_wait3A_25 = arith.constant 0 : i32
      %dma_wait3A_26 = tpu.memref_slice %arg2[%dma_wait3A_24, %dma_wait3A_25] : memref<10000x128xf32, #tpu.memory_space<hbm>> -> memref<10000x128xf32, #tpu.memory_space<hbm>>
      tpu.wait_indirect_dma semaphore(%arg12 : memref<!tpu.dma_semaphore, #tpu.memory_space<semaphore_mem>>) src(%dma_wait3A_26 : memref<10000x128xf32, #tpu.memory_space<hbm>>) dst(%arg10 : memref<128x128xf32, #tpu.memory_space<vmem>>)
      "tpu.region"() ({
        %run_scoped3A = tpu.sem_alloc : memref<!tpu.dma_semaphore, #tpu.memory_space<semaphore_mem>>
        %dma_start3A_27 = arith.constant 0 : i32
        %dma_start3A_28 = tpu.memref_slice %arg9[%scan3A_16, %dma_start3A_27] : memref<79x128xi32, #tpu.memory_space<vmem>> -> memref<1x128xi32, #tpu.memory_space<vmem>>
        %dma_start3A_29 = tpu.memref_squeeze %dma_start3A_28 : memref<1x128xi32, #tpu.memory_space<vmem>> -> memref<128xi32, #tpu.memory_space<vmem>>
        %dma_start3A_30 = arith.constant 0 : i32
        %dma_start3A_31 = arith.constant 0 : i32
        %dma_start3A_32 = tpu.memref_slice %arg11[%dma_start3A_30, %dma_start3A_31] : memref<10112x128xf32, #tpu.memory_space<vmem_shared>> -> memref<10112x128xf32, #tpu.memory_space<vmem_shared>>
        tpu.enqueue_indirect_dma source(%arg10 : memref<128x128xf32, #tpu.memory_space<vmem>>) target(%dma_start3A_32 : memref<10112x128xf32, #tpu.memory_space<vmem_shared>>) offsets(%dma_start3A_29 : memref<128xi32, #tpu.memory_space<vmem>>) semaphore(%run_scoped3A : memref<!tpu.dma_semaphore, #tpu.memory_space<semaphore_mem>>) {add = true}
        %dma_wait3A_33 = arith.constant 0 : i32
        %dma_wait3A_34 = tpu.memref_slice %arg9[%scan3A_16, %dma_wait3A_33] : memref<79x128xi32, #tpu.memory_space<vmem>> -> memref<1x128xi32, #tpu.memory_space<vmem>>
        %dma_wait3A_35 = tpu.memref_squeeze %dma_wait3A_34 : memref<1x128xi32, #tpu.memory_space<vmem>> -> memref<128xi32, #tpu.memory_space<vmem>>
        %dma_wait3A_36 = arith.constant 0 : i32
        %dma_wait3A_37 = arith.constant 0 : i32
        %dma_wait3A_38 = tpu.memref_slice %arg11[%dma_wait3A_36, %dma_wait3A_37] : memref<10112x128xf32, #tpu.memory_space<vmem_shared>> -> memref<10112x128xf32, #tpu.memory_space<vmem_shared>>
        tpu.wait_indirect_dma semaphore(%run_scoped3A : memref<!tpu.dma_semaphore, #tpu.memory_space<semaphore_mem>>) src(%arg10 : memref<128x128xf32, #tpu.memory_space<vmem>>) dst(%dma_wait3A_38 : memref<10112x128xf32, #tpu.memory_space<vmem_shared>>)
        tpu.yield
      }) : () -> ()
    }
    %scan3A_7 = arith.constant 79 : i32
    %barrier3A_8 = arith.constant 0 : index
    tpu.barrier barrier_id(%barrier3A_8)
    %eq3A = arith.constant 0 : i32
    %eq3A_9 = arith.cmpi eq, %arg0, %eq3A : i32
    %convert_element_type3A = arith.extui %eq3A_9 : i1 to i32
    %cond3A = arith.constant 0 : i32
    %cond3A_10 = arith.cmpi ne, %convert_element_type3A, %cond3A : i32
    scf.if %cond3A_10 {
      "tpu.region"() ({
        %run_scoped3A = tpu.sem_alloc : memref<!tpu.dma_semaphore, #tpu.memory_space<semaphore_mem>>
        %dma_start3A = arith.constant 0 : i32
        %dma_start3A_16 = tpu.memref_slice %arg6[%mul3A_2, %dma_start3A] : memref<10112x128xf32, #tpu.memory_space<hbm>> -> memref<632x128xf32, #tpu.memory_space<hbm>>
        %dma_start3A_17 = arith.constant 0 : i32
        %dma_start3A_18 = tpu.memref_slice %arg11[%mul3A_2, %dma_start3A_17] : memref<10112x128xf32, #tpu.memory_space<vmem_shared>> -> memref<632x128xf32, #tpu.memory_space<vmem_shared>>
        tpu.enqueue_dma source(%dma_start3A_18 : memref<632x128xf32, #tpu.memory_space<vmem_shared>>) target(%dma_start3A_16 : memref<632x128xf32, #tpu.memory_space<hbm>>) target_semaphore(%run_scoped3A : memref<!tpu.dma_semaphore, #tpu.memory_space<semaphore_mem>>)
        %dma_wait3A = arith.constant 0 : i32
        %dma_wait3A_19 = tpu.memref_slice %arg6[%mul3A_2, %dma_wait3A] : memref<10112x128xf32, #tpu.memory_space<hbm>> -> memref<632x128xf32, #tpu.memory_space<hbm>>
        %dma_wait3A_20 = arith.constant 0 : i32
        %dma_wait3A_21 = tpu.memref_slice %arg11[%mul3A_2, %dma_wait3A_20] : memref<10112x128xf32, #tpu.memory_space<vmem_shared>> -> memref<632x128xf32, #tpu.memory_space<vmem_shared>>
        tpu.wait_dma2 semaphore(%run_scoped3A : memref<!tpu.dma_semaphore, #tpu.memory_space<semaphore_mem>>) src(%dma_wait3A_21 : memref<632x128xf32, #tpu.memory_space<vmem_shared>>) dst(%dma_wait3A_19 : memref<632x128xf32, #tpu.memory_space<hbm>>)
        tpu.yield
      }) : () -> ()
    } else {
    }
    %eq3A_11 = arith.constant 1 : i32
    %eq3A_12 = arith.cmpi eq, %arg0, %eq3A_11 : i32
    %convert_element_type3A_13 = arith.extui %eq3A_12 : i1 to i32
    %cond3A_14 = arith.constant 0 : i32
    %cond3A_15 = arith.cmpi ne, %convert_element_type3A_13, %cond3A_14 : i32
    scf.if %cond3A_15 {
      "tpu.region"() ({
        %run_scoped3A = tpu.sem_alloc : memref<!tpu.dma_semaphore, #tpu.memory_space<semaphore_mem>>
        %dma_start3A = arith.constant 0 : i32
        %dma_start3A_16 = tpu.memref_slice %arg7[%mul3A_2, %dma_start3A] : memref<10112x128xf32, #tpu.memory_space<hbm>> -> memref<632x128xf32, #tpu.memory_space<hbm>>
        %dma_start3A_17 = arith.constant 0 : i32
        %dma_start3A_18 = tpu.memref_slice %arg11[%mul3A_2, %dma_start3A_17] : memref<10112x128xf32, #tpu.memory_space<vmem_shared>> -> memref<632x128xf32, #tpu.memory_space<vmem_shared>>
        tpu.enqueue_dma source(%dma_start3A_18 : memref<632x128xf32, #tpu.memory_space<vmem_shared>>) target(%dma_start3A_16 : memref<632x128xf32, #tpu.memory_space<hbm>>) target_semaphore(%run_scoped3A : memref<!tpu.dma_semaphore, #tpu.memory_space<semaphore_mem>>)
        %dma_wait3A = arith.constant 0 : i32
        %dma_wait3A_19 = tpu.memref_slice %arg7[%mul3A_2, %dma_wait3A] : memref<10112x128xf32, #tpu.memory_space<hbm>> -> memref<632x128xf32, #tpu.memory_space<hbm>>
        %dma_wait3A_20 = arith.constant 0 : i32
        %dma_wait3A_21 = tpu.memref_slice %arg11[%mul3A_2, %dma_wait3A_20] : memref<10112x128xf32, #tpu.memory_space<vmem_shared>> -> memref<632x128xf32, #tpu.memory_space<vmem_shared>>
        tpu.wait_dma2 semaphore(%run_scoped3A : memref<!tpu.dma_semaphore, #tpu.memory_space<semaphore_mem>>) src(%dma_wait3A_21 : memref<632x128xf32, #tpu.memory_space<vmem_shared>>) dst(%dma_wait3A_19 : memref<632x128xf32, #tpu.memory_space<hbm>>)
        tpu.yield
      }) : () -> ()
    } else {
    }
    return
  }
}

module attributes {stable_mosaic.version = 14 : i64} {
  func.func @_deg_body(%arg0: i32, %arg1: memref<8000x1xi32, #tpu.memory_space<vmem>>, %arg2: memref<128x128xf32, #tpu.memory_space<vmem>>) attributes {dimension_semantics = [#tpu.dimension_semantics<arbitrary>], iteration_bounds = array<i64: 40>, scalar_prefetch = 0 : i64, scratch_operands = 0 : i64, tpu.core_type = #tpu.core_type<tc>, window_params = [{transform_indices = @transform_0, window_bounds = array<i64: 8000, 1>}, {pipeline_mode = #tpu.pipeline_mode<synchronous>, transform_indices = @transform_1, window_bounds = array<i64: 128, 128>}]} {
    %eq3A = arith.constant 0 : i32
    %eq3A_0 = arith.cmpi eq, %arg0, %eq3A : i32
    %convert_element_type3A = arith.extui %eq3A_0 : i1 to i32
    %cond3A = arith.constant 0 : i32
    %cond3A_1 = arith.cmpi ne, %convert_element_type3A, %cond3A : i32
    scf.if %cond3A_1 {
      %broadcast_in_dim3A = arith.constant 0.000000e+00 : f32
      %broadcast_in_dim3A_64 = vector.broadcast %broadcast_in_dim3A : f32 to vector<128x128xf32>
      %swap3A_65 = arith.constant 0 : index
      %swap3A_66 = arith.constant 0 : index
      %swap3A_67 = vector.load %arg2[%swap3A_65, %swap3A_66] : memref<128x128xf32, #tpu.memory_space<vmem>>, vector<128x128xf32>
      tpu.vector_store %arg2[%swap3A_65, %swap3A_66], %broadcast_in_dim3A_64 {strides = array<i32>} : memref<128x128xf32, #tpu.memory_space<vmem>>, vector<128x128xf32>,
    } else {
    }
    %get3A = arith.constant 0 : index
    %get3A_2 = arith.constant 0 : index
    %get3A_3 = vector.load %arg1[%get3A, %get3A_2] : memref<8000x1xi32, #tpu.memory_space<vmem>>, vector<8000x1xi32>
    %iota3A = tpu.iota {dimensions = array<i32: 1>} : vector<8000x128xi32>
    %jit3A = arith.constant 128 : i32
    %div3A = vector.broadcast %jit3A : i32 to vector<8000x1xi32>
    %div3A_4 = arith.divsi %get3A_3, %div3A : vector<8000x1xi32>
    %sign3A = arith.constant 0 : i32
    %sign3A_5 = vector.broadcast %sign3A : i32 to vector<8000x1xi32>
    %sign3A_6 = arith.cmpi sgt, %get3A_3, %sign3A_5 : vector<8000x1xi32>
    %sign3A_7 = arith.extui %sign3A_6 : vector<8000x1xi1> to vector<8000x1xi32>
    %sign3A_8 = arith.constant 0 : i32
    %sign3A_9 = vector.broadcast %sign3A_8 : i32 to vector<8000x1xi32>
    %sign3A_10 = arith.cmpi slt, %get3A_3, %sign3A_9 : vector<8000x1xi32>
    %sign3A_11 = arith.extui %sign3A_10 : vector<8000x1xi1> to vector<8000x1xi32>
    %sign3A_12 = arith.subi %sign3A_7, %sign3A_11 : vector<8000x1xi32>
    %sign3A_13 = arith.constant 0 : i32
    %sign3A_14 = arith.cmpi sgt, %jit3A, %sign3A_13 : i32
    %sign3A_15 = arith.extui %sign3A_14 : i1 to i32
    %sign3A_16 = arith.constant 0 : i32
    %sign3A_17 = arith.cmpi slt, %jit3A, %sign3A_16 : i32
    %sign3A_18 = arith.extui %sign3A_17 : i1 to i32
    %sign3A_19 = arith.subi %sign3A_15, %sign3A_18 : i32
    %ne3A = vector.broadcast %sign3A_19 : i32 to vector<8000x1xi32>
    %ne3A_20 = arith.cmpi ne, %sign3A_12, %ne3A : vector<8000x1xi32>
    %rem3A = vector.broadcast %jit3A : i32 to vector<8000x1xi32>
    %rem3A_21 = arith.remsi %get3A_3, %rem3A : vector<8000x1xi32>
    %ne3A_22 = arith.constant 0 : i32
    %ne3A_23 = vector.broadcast %ne3A_22 : i32 to vector<8000x1xi32>
    %ne3A_24 = arith.cmpi ne, %rem3A_21, %ne3A_23 : vector<8000x1xi32>
    %and3A = arith.andi %ne3A_20, %ne3A_24 : vector<8000x1xi1>
    %sub3A = arith.constant 1 : i32
    %sub3A_25 = vector.broadcast %sub3A : i32 to vector<8000x1xi32>
    %sub3A_26 = arith.subi %div3A_4, %sub3A_25 : vector<8000x1xi32>
    %select_n3A = arith.select %and3A, %sub3A_26, %div3A_4 : vector<8000x1xi1>, vector<8000x1xi32>
    %eq3A_27 = vector.broadcast %select_n3A : vector<8000x1xi32> to vector<8000x128xi32>
    %eq3A_28 = arith.cmpi eq, %eq3A_27, %iota3A : vector<8000x128xi32>
    %convert_element_type3A_29 = arith.extui %eq3A_28 : vector<8000x128xi1> to vector<8000x128xi32>
    %convert_element_type3A_30 = arith.sitofp %convert_element_type3A_29 : vector<8000x128xi32> to vector<8000x128xf32>
    %convert_element_type3A_31 = arith.truncf %convert_element_type3A_30 : vector<8000x128xf32> to vector<8000x128xbf16>
    %jit3A_32 = arith.constant 128 : i32
    %eq3A_33 = arith.constant 0 : i32
    %eq3A_34 = arith.cmpi eq, %jit3A_32, %eq3A_33 : i32
    %jit3A_35 = arith.constant 1 : i32
    %select_n3A_36 = arith.select %eq3A_34, %jit3A_35, %jit3A_32 : i32
    %rem3A_37 = vector.broadcast %select_n3A_36 : i32 to vector<8000x1xi32>
    %rem3A_38 = arith.remsi %get3A_3, %rem3A_37 : vector<8000x1xi32>
    %ne3A_39 = arith.constant 0 : i32
    %ne3A_40 = vector.broadcast %ne3A_39 : i32 to vector<8000x1xi32>
    %ne3A_41 = arith.cmpi ne, %rem3A_38, %ne3A_40 : vector<8000x1xi32>
    %lt3A = arith.constant 0 : i32
    %lt3A_42 = vector.broadcast %lt3A : i32 to vector<8000x1xi32>
    %lt3A_43 = arith.cmpi slt, %rem3A_38, %lt3A_42 : vector<8000x1xi32>
    %lt3A_44 = arith.constant 0 : i32
    %lt3A_45 = arith.cmpi slt, %select_n3A_36, %lt3A_44 : i32
    %ne3A_46 = vector.broadcast %lt3A_45 : i1 to vector<8000x1xi1>
    %ne3A_47 = vector.broadcast %ne3A_46 : vector<8000x1xi1> to vector<8000x1xi1>
    %ne3A_48 = arith.xori %lt3A_43, %ne3A_47 : vector<8000x1xi1>
    %and3A_49 = arith.andi %ne3A_48, %ne3A_41 : vector<8000x1xi1>
    %add3A = vector.broadcast %select_n3A_36 : i32 to vector<8000x1xi32>
    %add3A_50 = arith.addi %rem3A_38, %add3A : vector<8000x1xi32>
    %select_n3A_51 = arith.select %and3A_49, %add3A_50, %rem3A_38 : vector<8000x1xi1>, vector<8000x1xi32>
    %eq3A_52 = vector.broadcast %select_n3A_51 : vector<8000x1xi32> to vector<8000x128xi32>
    %eq3A_53 = arith.cmpi eq, %eq3A_52, %iota3A : vector<8000x128xi32>
    %convert_element_type3A_54 = arith.extui %eq3A_53 : vector<8000x128xi1> to vector<8000x128xi32>
    %convert_element_type3A_55 = arith.sitofp %convert_element_type3A_54 : vector<8000x128xi32> to vector<8000x128xf32>
    %convert_element_type3A_56 = arith.truncf %convert_element_type3A_55 : vector<8000x128xf32> to vector<8000x128xbf16>
    %get3A_57 = arith.constant 0 : index
    %get3A_58 = arith.constant 0 : index
    %get3A_59 = vector.load %arg2[%get3A_57, %get3A_58] : memref<128x128xf32, #tpu.memory_space<vmem>>, vector<128x128xf32>
    %dot_general3A = arith.constant dense<0.000000e+00> : vector<128x128xf32>
    %dot_general3A_60 = tpu.matmul %convert_element_type3A_31, %convert_element_type3A_56, %dot_general3A {dimension_numbers = #tpu.dot_dimension_numbers<[0], [0], [1], [1], [0, 1, 1, 1], [], []>, transpose_lhs_hint = false} : vector<8000x128xbf16>, vector<8000x128xbf16>, vector<128x128xf32> -> vector<128x128xf32>
    %add3A_61 = arith.addf %get3A_59, %dot_general3A_60 : vector<128x128xf32>
    %swap3A = arith.constant 0 : index
    %swap3A_62 = arith.constant 0 : index
    %swap3A_63 = vector.load %arg2[%swap3A, %swap3A_62] : memref<128x128xf32, #tpu.memory_space<vmem>>, vector<128x128xf32>
    tpu.vector_store %arg2[%swap3A, %swap3A_62], %add3A_61 {strides = array<i32>} : memref<128x128xf32, #tpu.memory_space<vmem>>, vector<128x128xf32>,
    return
  }
  func.func @transform_0(%arg0: i32) -> (i32, i32) {
    %c0_i32 = arith.constant 0 : i32
    %c0_i32_0 = arith.constant 0 : i32
    return %arg0, %c0_i32 : i32, i32
  }
  func.func @transform_1(%arg0: i32) -> (i32, i32) {
    %c0_i32 = arith.constant 0 : i32
    %c0_i32_0 = arith.constant 0 : i32
    %c0_i32_1 = arith.constant 0 : i32
    return %c0_i32, %c0_i32_0 : i32, i32
  }
}

module attributes {stable_mosaic.version = 14 : i64} {
  func.func @_layer1_body(%arg0: i32, %arg1: memref<1000x128xf32, #tpu.memory_space<vmem>>, %arg2: memref<1000x128xf32, #tpu.memory_space<vmem>>, %arg3: memref<1000x1xf32, #tpu.memory_space<vmem>>, %arg4: memref<1000x128xf32, #tpu.memory_space<vmem>>, %arg5: memref<128x128xf32, #tpu.memory_space<vmem>>, %arg6: memref<128x128xf32, #tpu.memory_space<vmem>>, %arg7: memref<1x128xf32, #tpu.memory_space<vmem>>, %arg8: memref<1000x128xf32, #tpu.memory_space<vmem>>) attributes {dimension_semantics = [#tpu.dimension_semantics<arbitrary>], iteration_bounds = array<i64: 10>, scalar_prefetch = 0 : i64, scratch_operands = 0 : i64, tpu.core_type = #tpu.core_type<tc>, window_params = [{transform_indices = @transform_0, window_bounds = array<i64: 1000, 128>}, {transform_indices = @transform_1, window_bounds = array<i64: 1000, 128>}, {transform_indices = @transform_2, window_bounds = array<i64: 1000, 1>}, {transform_indices = @transform_3, window_bounds = array<i64: 1000, 128>}, {pipeline_mode = #tpu.pipeline_mode<synchronous>, transform_indices = @transform_4, window_bounds = array<i64: 128, 128>}, {pipeline_mode = #tpu.pipeline_mode<synchronous>, transform_indices = @transform_5, window_bounds = array<i64: 128, 128>}, {pipeline_mode = #tpu.pipeline_mode<synchronous>, transform_indices = @transform_6, window_bounds = array<i64: 1, 128>}, {transform_indices = @transform_7, window_bounds = array<i64: 1000, 128>}]} {
    %get3A = arith.constant 0 : index
    %get3A_0 = arith.constant 0 : index
    %get3A_1 = vector.load %arg3[%get3A, %get3A_0] : memref<1000x1xf32, #tpu.memory_space<vmem>>, vector<1000x1xf32>
    %max3A = arith.constant 1.000000e+00 : f32
    %max3A_2 = vector.broadcast %max3A : f32 to vector<1000x1xf32>
    %max3A_3 = arith.maximumf %get3A_1, %max3A_2 : vector<1000x1xf32>
    %get3A_4 = arith.constant 0 : index
    %get3A_5 = arith.constant 0 : index
    %get3A_6 = vector.load %arg1[%get3A_4, %get3A_5] : memref<1000x128xf32, #tpu.memory_space<vmem>>, vector<1000x128xf32>
    %get3A_7 = arith.constant 0 : index
    %get3A_8 = arith.constant 0 : index
    %get3A_9 = vector.load %arg2[%get3A_7, %get3A_8] : memref<1000x128xf32, #tpu.memory_space<vmem>>, vector<1000x128xf32>
    %add3A = arith.addf %get3A_6, %get3A_9 : vector<1000x128xf32>
    %div3A = vector.broadcast %max3A_3 : vector<1000x1xf32> to vector<1000x128xf32>
    %div3A_10 = arith.divf %add3A, %div3A : vector<1000x128xf32>
    %get3A_11 = arith.constant 0 : index
    %get3A_12 = arith.constant 0 : index
    %get3A_13 = vector.load %arg5[%get3A_11, %get3A_12] : memref<128x128xf32, #tpu.memory_space<vmem>>, vector<128x128xf32>
    %dot_general3A = arith.constant dense<0.000000e+00> : vector<1000x128xf32>
    %dot_general3A_14 = tpu.matmul %div3A_10, %get3A_13, %dot_general3A {dimension_numbers = #tpu.dot_dimension_numbers<[1], [0], [0], [1], [0, 0, 1, 1], [], []>, transpose_lhs_hint = false} : vector<1000x128xf32>, vector<128x128xf32>, vector<1000x128xf32> -> vector<1000x128xf32>
    %get3A_15 = arith.constant 0 : index
    %get3A_16 = arith.constant 0 : index
    %get3A_17 = vector.load %arg4[%get3A_15, %get3A_16] : memref<1000x128xf32, #tpu.memory_space<vmem>>, vector<1000x128xf32>
    %get3A_18 = arith.constant 0 : index
    %get3A_19 = arith.constant 0 : index
    %get3A_20 = vector.load %arg6[%get3A_18, %get3A_19] : memref<128x128xf32, #tpu.memory_space<vmem>>, vector<128x128xf32>
    %dot_general3A_21 = arith.constant dense<0.000000e+00> : vector<1000x128xf32>
    %dot_general3A_22 = tpu.matmul %get3A_17, %get3A_20, %dot_general3A_21 {dimension_numbers = #tpu.dot_dimension_numbers<[1], [0], [0], [1], [0, 0, 1, 1], [], []>, transpose_lhs_hint = false} : vector<1000x128xf32>, vector<128x128xf32>, vector<1000x128xf32> -> vector<1000x128xf32>
    %add3A_23 = arith.addf %dot_general3A_14, %dot_general3A_22 : vector<1000x128xf32>
    %get3A_24 = arith.constant 0 : index
    %get3A_25 = arith.constant 0 : index
    %get3A_26 = vector.load %arg7[%get3A_24, %get3A_25] : memref<1x128xf32, #tpu.memory_space<vmem>>, vector<1x128xf32>
    %add3A_27 = vector.broadcast %get3A_26 : vector<1x128xf32> to vector<1000x128xf32>
    %add3A_28 = arith.addf %add3A_23, %add3A_27 : vector<1000x128xf32>
    %max3A_29 = arith.constant 0.000000e+00 : f32
    %max3A_30 = vector.broadcast %max3A_29 : f32 to vector<1000x128xf32>
    %max3A_31 = arith.maximumf %add3A_28, %max3A_30 : vector<1000x128xf32>
    %swap3A = arith.constant 0 : index
    %swap3A_32 = arith.constant 0 : index
    %swap3A_33 = vector.load %arg8[%swap3A, %swap3A_32] : memref<1000x128xf32, #tpu.memory_space<vmem>>, vector<1000x128xf32>
    tpu.vector_store %arg8[%swap3A, %swap3A_32], %max3A_31 {strides = array<i32>} : memref<1000x128xf32, #tpu.memory_space<vmem>>, vector<1000x128xf32>,
    return
  }
  func.func @transform_0(%arg0: i32) -> (i32, i32) {
    %c0_i32 = arith.constant 0 : i32
    %c0_i32_0 = arith.constant 0 : i32
    return %arg0, %c0_i32 : i32, i32
  }
  func.func @transform_1(%arg0: i32) -> (i32, i32) {
    %c0_i32 = arith.constant 0 : i32
    %c0_i32_0 = arith.constant 0 : i32
    return %arg0, %c0_i32 : i32, i32
  }
  func.func @transform_2(%arg0: i32) -> (i32, i32) {
    %c0_i32 = arith.constant 0 : i32
    %c0_i32_0 = arith.constant 0 : i32
    return %arg0, %c0_i32 : i32, i32
  }
  func.func @transform_3(%arg0: i32) -> (i32, i32) {
    %c0_i32 = arith.constant 0 : i32
    %c0_i32_0 = arith.constant 0 : i32
    return %arg0, %c0_i32 : i32, i32
  }
  func.func @transform_4(%arg0: i32) -> (i32, i32) {
    %c0_i32 = arith.constant 0 : i32
    %c0_i32_0 = arith.constant 0 : i32
    %c0_i32_1 = arith.constant 0 : i32
    return %c0_i32, %c0_i32_0 : i32, i32
  }
  func.func @transform_5(%arg0: i32) -> (i32, i32) {
    %c0_i32 = arith.constant 0 : i32
    %c0_i32_0 = arith.constant 0 : i32
    %c0_i32_1 = arith.constant 0 : i32
    return %c0_i32, %c0_i32_0 : i32, i32
  }
  func.func @transform_6(%arg0: i32) -> (i32, i32) {
    %c0_i32 = arith.constant 0 : i32
    %c0_i32_0 = arith.constant 0 : i32
    %c0_i32_1 = arith.constant 0 : i32
    return %c0_i32, %c0_i32_0 : i32, i32
  }
  func.func @transform_7(%arg0: i32) -> (i32, i32) {
    %c0_i32 = arith.constant 0 : i32
    %c0_i32_0 = arith.constant 0 : i32
    return %arg0, %c0_i32 : i32, i32
  }
}

module attributes {stable_mosaic.version = 14 : i64} {
  func.func @_layer2_body(%arg0: i32, %arg1: memref<1000x128xf32, #tpu.memory_space<vmem>>, %arg2: memref<1000x128xf32, #tpu.memory_space<vmem>>, %arg3: memref<1000x1xf32, #tpu.memory_space<vmem>>, %arg4: memref<1000x128xf32, #tpu.memory_space<vmem>>, %arg5: memref<128x128xf32, #tpu.memory_space<vmem>>, %arg6: memref<128x128xf32, #tpu.memory_space<vmem>>, %arg7: memref<1x128xf32, #tpu.memory_space<vmem>>, %arg8: memref<128x128xf32, #tpu.memory_space<vmem>>, %arg9: memref<128x128xf32, #tpu.memory_space<vmem>>, %arg10: memref<1000x128xf32, #tpu.memory_space<vmem>>, %arg11: memref<1000x128xf32, #tpu.memory_space<vmem>>) attributes {dimension_semantics = [#tpu.dimension_semantics<arbitrary>], iteration_bounds = array<i64: 10>, scalar_prefetch = 0 : i64, scratch_operands = 0 : i64, tpu.core_type = #tpu.core_type<tc>, window_params = [{transform_indices = @transform_0, window_bounds = array<i64: 1000, 128>}, {transform_indices = @transform_1, window_bounds = array<i64: 1000, 128>}, {transform_indices = @transform_2, window_bounds = array<i64: 1000, 1>}, {transform_indices = @transform_3, window_bounds = array<i64: 1000, 128>}, {pipeline_mode = #tpu.pipeline_mode<synchronous>, transform_indices = @transform_4, window_bounds = array<i64: 128, 128>}, {pipeline_mode = #tpu.pipeline_mode<synchronous>, transform_indices = @transform_5, window_bounds = array<i64: 128, 128>}, {pipeline_mode = #tpu.pipeline_mode<synchronous>, transform_indices = @transform_6, window_bounds = array<i64: 1, 128>}, {pipeline_mode = #tpu.pipeline_mode<synchronous>, transform_indices = @transform_7, window_bounds = array<i64: 128, 128>}, {pipeline_mode = #tpu.pipeline_mode<synchronous>, transform_indices = @transform_8, window_bounds = array<i64: 128, 128>}, {transform_indices = @transform_9, window_bounds = array<i64: 1000, 128>}, {transform_indices = @transform_10, window_bounds = array<i64: 1000, 128>}]} {
    %get3A = arith.constant 0 : index
    %get3A_0 = arith.constant 0 : index
    %get3A_1 = vector.load %arg3[%get3A, %get3A_0] : memref<1000x1xf32, #tpu.memory_space<vmem>>, vector<1000x1xf32>
    %max3A = arith.constant 1.000000e+00 : f32
    %max3A_2 = vector.broadcast %max3A : f32 to vector<1000x1xf32>
    %max3A_3 = arith.maximumf %get3A_1, %max3A_2 : vector<1000x1xf32>
    %get3A_4 = arith.constant 0 : index
    %get3A_5 = arith.constant 0 : index
    %get3A_6 = vector.load %arg1[%get3A_4, %get3A_5] : memref<1000x128xf32, #tpu.memory_space<vmem>>, vector<1000x128xf32>
    %get3A_7 = arith.constant 0 : index
    %get3A_8 = arith.constant 0 : index
    %get3A_9 = vector.load %arg2[%get3A_7, %get3A_8] : memref<1000x128xf32, #tpu.memory_space<vmem>>, vector<1000x128xf32>
    %add3A = arith.addf %get3A_6, %get3A_9 : vector<1000x128xf32>
    %div3A = vector.broadcast %max3A_3 : vector<1000x1xf32> to vector<1000x128xf32>
    %div3A_10 = arith.divf %add3A, %div3A : vector<1000x128xf32>
    %get3A_11 = arith.constant 0 : index
    %get3A_12 = arith.constant 0 : index
    %get3A_13 = vector.load %arg5[%get3A_11, %get3A_12] : memref<128x128xf32, #tpu.memory_space<vmem>>, vector<128x128xf32>
    %dot_general3A = arith.constant dense<0.000000e+00> : vector<1000x128xf32>
    %dot_general3A_14 = tpu.matmul %div3A_10, %get3A_13, %dot_general3A {dimension_numbers = #tpu.dot_dimension_numbers<[1], [0], [0], [1], [0, 0, 1, 1], [], []>, transpose_lhs_hint = false} : vector<1000x128xf32>, vector<128x128xf32>, vector<1000x128xf32> -> vector<1000x128xf32>
    %get3A_15 = arith.constant 0 : index
    %get3A_16 = arith.constant 0 : index
    %get3A_17 = vector.load %arg4[%get3A_15, %get3A_16] : memref<1000x128xf32, #tpu.memory_space<vmem>>, vector<1000x128xf32>
    %get3A_18 = arith.constant 0 : index
    %get3A_19 = arith.constant 0 : index
    %get3A_20 = vector.load %arg6[%get3A_18, %get3A_19] : memref<128x128xf32, #tpu.memory_space<vmem>>, vector<128x128xf32>
    %dot_general3A_21 = arith.constant dense<0.000000e+00> : vector<1000x128xf32>
    %dot_general3A_22 = tpu.matmul %get3A_17, %get3A_20, %dot_general3A_21 {dimension_numbers = #tpu.dot_dimension_numbers<[1], [0], [0], [1], [0, 0, 1, 1], [], []>, transpose_lhs_hint = false} : vector<1000x128xf32>, vector<128x128xf32>, vector<1000x128xf32> -> vector<1000x128xf32>
    %add3A_23 = arith.addf %dot_general3A_14, %dot_general3A_22 : vector<1000x128xf32>
    %get3A_24 = arith.constant 0 : index
    %get3A_25 = arith.constant 0 : index
    %get3A_26 = vector.load %arg7[%get3A_24, %get3A_25] : memref<1x128xf32, #tpu.memory_space<vmem>>, vector<1x128xf32>
    %add3A_27 = vector.broadcast %get3A_26 : vector<1x128xf32> to vector<1000x128xf32>
    %add3A_28 = arith.addf %add3A_23, %add3A_27 : vector<1000x128xf32>
    %max3A_29 = arith.constant 0.000000e+00 : f32
    %max3A_30 = vector.broadcast %max3A_29 : f32 to vector<1000x128xf32>
    %max3A_31 = arith.maximumf %add3A_28, %max3A_30 : vector<1000x128xf32>
    %get3A_32 = arith.constant 0 : index
    %get3A_33 = arith.constant 0 : index
    %get3A_34 = vector.load %arg8[%get3A_32, %get3A_33] : memref<128x128xf32, #tpu.memory_space<vmem>>, vector<128x128xf32>
    %dot_general3A_35 = arith.constant dense<0.000000e+00> : vector<1000x128xf32>
    %dot_general3A_36 = tpu.matmul %max3A_31, %get3A_34, %dot_general3A_35 {dimension_numbers = #tpu.dot_dimension_numbers<[1], [0], [0], [1], [0, 0, 1, 1], [], []>, transpose_lhs_hint = false} : vector<1000x128xf32>, vector<128x128xf32>, vector<1000x128xf32> -> vector<1000x128xf32>
    %swap3A = arith.constant 0 : index
    %swap3A_37 = arith.constant 0 : index
    %swap3A_38 = vector.load %arg10[%swap3A, %swap3A_37] : memref<1000x128xf32, #tpu.memory_space<vmem>>, vector<1000x128xf32>
    tpu.vector_store %arg10[%swap3A, %swap3A_37], %dot_general3A_36 {strides = array<i32>} : memref<1000x128xf32, #tpu.memory_space<vmem>>, vector<1000x128xf32>,
    %get3A_39 = arith.constant 0 : index
    %get3A_40 = arith.constant 0 : index
    %get3A_41 = vector.load %arg9[%get3A_39, %get3A_40] : memref<128x128xf32, #tpu.memory_space<vmem>>, vector<128x128xf32>
    %dot_general3A_42 = arith.constant dense<0.000000e+00> : vector<1000x128xf32>
    %dot_general3A_43 = tpu.matmul %max3A_31, %get3A_41, %dot_general3A_42 {dimension_numbers = #tpu.dot_dimension_numbers<[1], [0], [0], [1], [0, 0, 1, 1], [], []>, transpose_lhs_hint = false} : vector<1000x128xf32>, vector<128x128xf32>, vector<1000x128xf32> -> vector<1000x128xf32>
    %swap3A_44 = arith.constant 0 : index
    %swap3A_45 = arith.constant 0 : index
    %swap3A_46 = vector.load %arg11[%swap3A_44, %swap3A_45] : memref<1000x128xf32, #tpu.memory_space<vmem>>, vector<1000x128xf32>
    tpu.vector_store %arg11[%swap3A_44, %swap3A_45], %dot_general3A_43 {strides = array<i32>} : memref<1000x128xf32, #tpu.memory_space<vmem>>, vector<1000x128xf32>,
    return
  }
  func.func @transform_0(%arg0: i32) -> (i32, i32) {
    %c0_i32 = arith.constant 0 : i32
    %c0_i32_0 = arith.constant 0 : i32
    return %arg0, %c0_i32 : i32, i32
  }
  func.func @transform_1(%arg0: i32) -> (i32, i32) {
    %c0_i32 = arith.constant 0 : i32
    %c0_i32_0 = arith.constant 0 : i32
    return %arg0, %c0_i32 : i32, i32
  }
  func.func @transform_2(%arg0: i32) -> (i32, i32) {
    %c0_i32 = arith.constant 0 : i32
    %c0_i32_0 = arith.constant 0 : i32
    return %arg0, %c0_i32 : i32, i32
  }
  func.func @transform_3(%arg0: i32) -> (i32, i32) {
    %c0_i32 = arith.constant 0 : i32
    %c0_i32_0 = arith.constant 0 : i32
    return %arg0, %c0_i32 : i32, i32
  }
  func.func @transform_4(%arg0: i32) -> (i32, i32) {
    %c0_i32 = arith.constant 0 : i32
    %c0_i32_0 = arith.constant 0 : i32
    %c0_i32_1 = arith.constant 0 : i32
    return %c0_i32, %c0_i32_0 : i32, i32
  }
  func.func @transform_5(%arg0: i32) -> (i32, i32) {
    %c0_i32 = arith.constant 0 : i32
    %c0_i32_0 = arith.constant 0 : i32
    %c0_i32_1 = arith.constant 0 : i32
    return %c0_i32, %c0_i32_0 : i32, i32
  }
  func.func @transform_6(%arg0: i32) -> (i32, i32) {
    %c0_i32 = arith.constant 0 : i32
    %c0_i32_0 = arith.constant 0 : i32
    %c0_i32_1 = arith.constant 0 : i32
    return %c0_i32, %c0_i32_0 : i32, i32
  }
  func.func @transform_7(%arg0: i32) -> (i32, i32) {
    %c0_i32 = arith.constant 0 : i32
    %c0_i32_0 = arith.constant 0 : i32
    %c0_i32_1 = arith.constant 0 : i32
    return %c0_i32, %c0_i32_0 : i32, i32
  }
  func.func @transform_8(%arg0: i32) -> (i32, i32) {
    %c0_i32 = arith.constant 0 : i32
    %c0_i32_0 = arith.constant 0 : i32
    %c0_i32_1 = arith.constant 0 : i32
    return %c0_i32, %c0_i32_0 : i32, i32
  }
  func.func @transform_9(%arg0: i32) -> (i32, i32) {
    %c0_i32 = arith.constant 0 : i32
    %c0_i32_0 = arith.constant 0 : i32
    return %arg0, %c0_i32 : i32, i32
  }
  func.func @transform_10(%arg0: i32) -> (i32, i32) {
    %c0_i32 = arith.constant 0 : i32
    %c0_i32_0 = arith.constant 0 : i32
    return %arg0, %c0_i32 : i32, i32
  }
}

module attributes {stable_mosaic.version = 14 : i64} {
  func.func @_score_body(%arg0: i32, %arg1: memref<1000x128xf32, #tpu.memory_space<vmem>>, %arg2: memref<1000x128xf32, #tpu.memory_space<vmem>>, %arg3: memref<1x128xf32, #tpu.memory_space<vmem>>, %arg4: memref<128x1xf32, #tpu.memory_space<vmem>>, %arg5: memref<1x1xf32, #tpu.memory_space<vmem>>, %arg6: memref<1000x1xf32, #tpu.memory_space<vmem>>) attributes {dimension_semantics = [#tpu.dimension_semantics<arbitrary>], iteration_bounds = array<i64: 100>, scalar_prefetch = 0 : i64, scratch_operands = 0 : i64, tpu.core_type = #tpu.core_type<tc>, window_params = [{transform_indices = @transform_0, window_bounds = array<i64: 1000, 128>}, {transform_indices = @transform_1, window_bounds = array<i64: 1000, 128>}, {pipeline_mode = #tpu.pipeline_mode<synchronous>, transform_indices = @transform_2, window_bounds = array<i64: 1, 128>}, {pipeline_mode = #tpu.pipeline_mode<synchronous>, transform_indices = @transform_3, window_bounds = array<i64: 128, 1>}, {pipeline_mode = #tpu.pipeline_mode<synchronous>, transform_indices = @transform_4, window_bounds = array<i64: 1, 1>}, {transform_indices = @transform_5, window_bounds = array<i64: 1000, 1>}]} {
    %get3A = arith.constant 0 : index
    %get3A_0 = arith.constant 0 : index
    %get3A_1 = vector.load %arg1[%get3A, %get3A_0] : memref<1000x128xf32, #tpu.memory_space<vmem>>, vector<1000x128xf32>
    %get3A_2 = arith.constant 0 : index
    %get3A_3 = arith.constant 0 : index
    %get3A_4 = vector.load %arg2[%get3A_2, %get3A_3] : memref<1000x128xf32, #tpu.memory_space<vmem>>, vector<1000x128xf32>
    %add3A = arith.addf %get3A_1, %get3A_4 : vector<1000x128xf32>
    %get3A_5 = arith.constant 0 : index
    %get3A_6 = arith.constant 0 : index
    %get3A_7 = vector.load %arg3[%get3A_5, %get3A_6] : memref<1x128xf32, #tpu.memory_space<vmem>>, vector<1x128xf32>
    %add3A_8 = vector.broadcast %get3A_7 : vector<1x128xf32> to vector<1000x128xf32>
    %add3A_9 = arith.addf %add3A, %add3A_8 : vector<1000x128xf32>
    %max3A = arith.constant 0.000000e+00 : f32
    %max3A_10 = vector.broadcast %max3A : f32 to vector<1000x128xf32>
    %max3A_11 = arith.maximumf %add3A_9, %max3A_10 : vector<1000x128xf32>
    %get3A_12 = arith.constant 0 : index
    %get3A_13 = arith.constant 0 : index
    %get3A_14 = vector.load %arg4[%get3A_12, %get3A_13] : memref<128x1xf32, #tpu.memory_space<vmem>>, vector<128x1xf32>
    %dot_general3A = arith.constant dense<0.000000e+00> : vector<1000x1xf32>
    %dot_general3A_15 = tpu.matmul %max3A_11, %get3A_14, %dot_general3A {dimension_numbers = #tpu.dot_dimension_numbers<[1], [0], [0], [1], [0, 0, 1, 1], [], []>, transpose_lhs_hint = false} : vector<1000x128xf32>, vector<128x1xf32>, vector<1000x1xf32> -> vector<1000x1xf32>
    %get3A_16 = arith.constant 0 : index
    %get3A_17 = arith.constant 0 : index
    %get3A_18 = vector.load %arg5[%get3A_16, %get3A_17] : memref<1x1xf32, #tpu.memory_space<vmem>>, vector<1x1xf32>
    %add3A_19 = vector.broadcast %get3A_18 : vector<1x1xf32> to vector<1000x1xf32>
    %add3A_20 = arith.addf %dot_general3A_15, %add3A_19 : vector<1000x1xf32>
    %neg3A = arith.constant 0.000000e+00 : f32
    %neg3A_21 = vector.broadcast %neg3A : f32 to vector<1000x1xf32>
    %neg3A_22 = arith.subf %neg3A_21, %add3A_20 : vector<1000x1xf32>
    %exp3A = math.exp %neg3A_22 : vector<1000x1xf32>
    %add3A_23 = arith.constant 1.000000e+00 : f32
    %add3A_24 = vector.broadcast %add3A_23 : f32 to vector<1000x1xf32>
    %add3A_25 = arith.addf %add3A_24, %exp3A : vector<1000x1xf32>
    %div3A = arith.constant 1.000000e+00 : f32
    %div3A_26 = vector.broadcast %div3A : f32 to vector<1000x1xf32>
    %div3A_27 = arith.divf %div3A_26, %add3A_25 : vector<1000x1xf32>
    %swap3A = arith.constant 0 : index
    %swap3A_28 = arith.constant 0 : index
    %swap3A_29 = vector.load %arg6[%swap3A, %swap3A_28] : memref<1000x1xf32, #tpu.memory_space<vmem>>, vector<1000x1xf32>
    tpu.vector_store %arg6[%swap3A, %swap3A_28], %div3A_27 {strides = array<i32>} : memref<1000x1xf32, #tpu.memory_space<vmem>>, vector<1000x1xf32>,
    return
  }
  func.func @transform_0(%arg0: i32) -> (i32, i32) {
    %c0_i32 = arith.constant 0 : i32
    %c0_i32_0 = arith.constant 0 : i32
    return %arg0, %c0_i32 : i32, i32
  }
  func.func @transform_1(%arg0: i32) -> (i32, i32) {
    %c0_i32 = arith.constant 0 : i32
    %c0_i32_0 = arith.constant 0 : i32
    return %arg0, %c0_i32 : i32, i32
  }
  func.func @transform_2(%arg0: i32) -> (i32, i32) {
    %c0_i32 = arith.constant 0 : i32
    %c0_i32_0 = arith.constant 0 : i32
    %c0_i32_1 = arith.constant 0 : i32
    return %c0_i32, %c0_i32_0 : i32, i32
  }
  func.func @transform_3(%arg0: i32) -> (i32, i32) {
    %c0_i32 = arith.constant 0 : i32
    %c0_i32_0 = arith.constant 0 : i32
    %c0_i32_1 = arith.constant 0 : i32
    return %c0_i32, %c0_i32_0 : i32, i32
  }
  func.func @transform_4(%arg0: i32) -> (i32, i32) {
    %c0_i32 = arith.constant 0 : i32
    %c0_i32_0 = arith.constant 0 : i32
    %c0_i32_1 = arith.constant 0 : i32
    return %c0_i32, %c0_i32_0 : i32, i32
  }
  func.func @transform_5(%arg0: i32) -> (i32, i32) {
    %c0_i32 = arith.constant 0 : i32
    %c0_i32_0 = arith.constant 0 : i32
    return %arg0, %c0_i32 : i32, i32
  }
}

</mosaic_0001>

<sc_bundles>
// kernel: kernel.12.cloned.1.call-start
scs
__scs_entry_jumppad:
0x0: {  	(pc) =	sbr.rel $0x88, $3  }
0x1: {  	(tag) =	ssettag $0x0;
	lr =	simm.s32 $0x1  }
0x2: {  	[smem:$0x3F94] =	sst lr;
	_ =	strace $0xD0000000  }
0x3: {  	_ = 	snop  }
0x4: {  	_ = 	snop  }
0x5: {  	_ = 	snop  }
0x6: {  	_ = 	snop  }
0x7: {  	_ = 	snop  }
__scs_overlays_trampoline_lowered:
0x8: {  	[smem:$0x3FA3] =	sst s0  }
0x9: {  	[smem:$0x3FA4] =	sst s1  }
0xa: {  	[smem:$0x3FA5] =	sst s2  }
0xb: {  	[smem:$0x3FA6] =	sst s3  }
0xc: {  	[smem:$0x3FA7] =	sst s4  }
0xd: {  	[smem:$0x3FA8] =	sst s5  }
0xe: {  	[smem:$0x3FA9] =	sst s6  }
0xf: {  	[smem:$0x3FAA] =	sst s7  }
0x10: {  	[smem:$0x3FAB] =	sst s8  }
0x11: {  	[smem:$0x3FAC] =	sst s9;
	s0 =	simm.s32 @!p0 $0x0  }
0x12: {  	s1 =	sld [smem:$0x3F92];
	s0 =	simm.s32 @p0 $0x1  }
0x13: {  	[smem:$0x3FAD] =	sst s0;
	s0 =	simm.s32 @!p1 $0x0  }
0x14: {  	s2 =	sld [smem:$0x3F91];
	s0 =	simm.s32 @p1 $0x1  }
0x15: {  	[smem:$0x3FAE] =	sst s0;
	s0 =	simm.s32 @!p2 $0x0  }
0x16: {  	s3 =	sld [smem:$0x3FDB];
	s0 =	simm.s32 @p2 $0x1  }
0x17: {  	s4 =	simm.s32 $0x1BF5;
	[smem:$0x3FB0] =	sst s0  }
0x18: {  	s0 =	sld [smem:$0x3F93];
	_ =	swait.ge [sflag:s4], $0x0  }
0x19: {  	s7 =	sld [smem:$0x3F94]  }
0x1a: {  	s8 =	sadd.s32 $0xFFFFE003, lr  }
0x1b: {  	s9 =	sadd.s32 $0xFFFFFEF7, lr;
	s5 =	simm.s32 $0xFFFFFFFF;
	p2 =	slt.u32 s8, $0xFFFFF086  }
0x1c: {  	p1 =	slt.u32 s9, $0xF7A;
	s5 =	simm.s32 @!p2 $0x0  }
0x1d: {  	s5 =	simm.s32 @p1 $0x1;
	p0 =	seq.s32 s7, s2  }
0x1e: {  	s7 =	smul.u32 @!p0 $0xF7A, s2;
	p2 =	seq.s32 @!p0 s5, $0x0  }
0x1f: {  	s9 =	smul.u32 $0xF7A, s1;
	s8 =	simm.s32 @!p0 $0x1BF5;
	p2 =	por !p2, p0  }
0x20: {  	[sflag:s8] =	ssyncset.s32 @!p0 $0xFFFFF086;
	s6 =	sadd.s32 @!p0 s3, s7;
	s7 =	simm.s32 @!p0 $0x108  }
0x21: {  	s3 =	sadd.s32 s3, s9;
	s6 =	sadd.s32 @!p0 $0x88, s6;
	s7 =	simm.s32 @p2 $0x1082  }
0x22: {  	[simem:s7], [sflag:s8] =	dma.local @!p0 [hbm:s6], $0xF7A  }
0x23: {  	s9 =	sor.u32 $0xD0000000, s2;
	s6 =	simm.s32 $0x108;
	_ =	swait.ge @!p0 [sflag:s8], $0x0  }
0x24: {  	s3 =	sadd.s32 $0x88, s3;
	s6 =	simm.s32 @!p1 $0x1082;
	[sflag:s4] =	ssyncset.s32 $0xFFFFF086  }
0x25: {  	[simem:s6], [sflag:s4] =	dma.local [hbm:s3], $0xF7A  }
0x26: {  	[smem:$0x3F94] =	sst s1;
	(tag) =	ssettag s2;
	_ =	strace s9  }
0x27: {  	s1 =	sld [smem:$0x3FA4]  }
0x28: {  	s2 =	sld [smem:$0x3FA5]  }
0x29: {  	s4 =	sld [smem:$0x3FA7]  }
0x2a: {  	p0 =	seq.s32 s5, $0x0;
	s5 =	sld [smem:$0x3FA8]  }
0x2b: {  	s6 =	sld [smem:$0x3FA9]  }
0x2c: {  	s7 =	sld [smem:$0x3FAA]  }
0x2d: {  	s3 =	simm.s32 $0x108;
	s8 =	sld [smem:$0x3FAB]  }
0x2e: {  	s3 =	simm.s32 @!p0 $0x1082;
	s9 =	sld [smem:$0x3FAC]  }
0x2f: {  	lr =	sadd.s32 s0, s3;
	s0 =	sld [smem:$0x3FA3]  }
0x30: {  	s3 =	sld [smem:$0x3FA6]  }
0x31: {  	[smem:$0x3FAF] =	sst s10  }
0x32: {  	s10 =	sld [smem:$0x3FAD];
	_ =	sdelay $0x3  }
0x33: {  	p0 =	seq.s32 s10, $0x1;
	s10 =	sld [smem:$0x3FAF];
	_ =	sdelay $0x3  }
0x34: {  	[smem:$0x3FAF] =	sst s10  }
0x35: {  	s10 =	sld [smem:$0x3FAE];
	_ =	sdelay $0x3  }
0x36: {  	p1 =	seq.s32 s10, $0x1;
	s10 =	sld [smem:$0x3FAF];
	_ =	sdelay $0x3  }
0x37: {  	[smem:$0x3FAF] =	sst s10  }
0x38: {  	s10 =	sld [smem:$0x3FB0]  }
0x39: {  	_ = 	snop;
	(pc) =	sbr.ind lr, $3  }
0x3a: {  	_ = 	snop  }
0x3b: {  	_ = 	snop  }
0x3c: {  	p2 =	seq.s32 s10, $0x1;
	s10 =	sld [smem:$0x3FAF]  }
0x3d: {  	_ =	shalt  }
0x3e: {  	_ =	shalt  }
0x3f: {  	_ =	shalt  }
0x40: {  	_ =	shalt  }
0x41: {  	_ =	shalt  }
0x42: {  	_ =	shalt  }
0x43: {  	_ =	shalt  }
0x44: {  	_ =	shalt  }
0x45: {  	_ =	shalt  }
0x46: {  	_ =	shalt  }
0x47: {  	_ =	shalt  }
0x48: {  	_ =	shalt  }
0x49: {  	_ =	shalt  }
0x4a: {  	_ =	shalt  }
0x4b: {  	_ =	shalt  }
0x4c: {  	_ =	shalt  }
0x4d: {  	_ =	shalt  }
0x4e: {  	_ =	shalt  }
0x4f: {  	_ =	shalt  }
0x50: {  	_ =	shalt  }
0x51: {  	_ =	shalt  }
0x52: {  	_ =	shalt  }
0x53: {  	_ =	shalt  }
0x54: {  	_ =	shalt  }
0x55: {  	_ =	shalt  }
0x56: {  	_ =	shalt  }
0x57: {  	_ =	shalt  }
0x58: {  	_ =	shalt  }
0x59: {  	_ =	shalt  }
0x5a: {  	_ =	shalt  }
0x5b: {  	_ =	shalt  }
0x5c: {  	_ =	shalt  }
0x5d: {  	_ =	shalt  }
0x5e: {  	_ =	shalt  }
0x5f: {  	_ =	shalt  }
0x60: {  	_ =	shalt  }
0x61: {  	_ =	shalt  }
0x62: {  	_ =	shalt  }
0x63: {  	_ =	shalt  }
0x64: {  	_ =	shalt  }
0x65: {  	_ =	shalt  }
0x66: {  	_ =	shalt  }
0x67: {  	_ =	shalt  }
0x68: {  	_ =	shalt  }
0x69: {  	_ =	shalt  }
0x6a: {  	_ =	shalt  }
0x6b: {  	_ =	shalt  }
0x6c: {  	_ =	shalt  }
0x6d: {  	_ =	shalt  }
0x6e: {  	_ =	shalt  }
0x6f: {  	_ =	shalt  }
0x70: {  	_ =	shalt  }
0x71: {  	_ =	shalt  }
0x72: {  	_ =	shalt  }
0x73: {  	_ =	shalt  }
0x74: {  	_ =	shalt  }
0x75: {  	_ =	shalt  }
0x76: {  	_ =	shalt  }
0x77: {  	_ =	shalt  }
0x78: {  	_ =	shalt  }
0x79: {  	_ =	shalt  }
0x7a: {  	_ =	shalt  }
0x7b: {  	_ =	shalt  }
0x7c: {  	_ =	shalt  }
0x7d: {  	_ =	shalt  }
0x7e: {  	_ =	shalt  }
0x7f: {  	_ =	shalt  }
0x80: {  	_ =	shalt  }
0x81: {  	_ =	shalt  }
0x82: {  	_ =	shalt  }
0x83: {  	_ =	shalt  }
0x84: {  	_ =	shalt  }
0x85: {  	_ =	shalt  }
0x86: {  	_ =	shalt  }
0x87: {  	_ =	shalt  }
.Lfunc_end0:
.L_simem_size_0:
called_computation.1_lowered:
.L_overlay_start_0:
0x88: {  	s2 =	sld [smem:$0x3FD9]  }
0x89: {  	s3 =	sld [smem:$0x3FFE];
	_ =	sdelay $0x1  }
0x8a: {  	s1 =	srdreg.scid  }
0x8b: {  	s0 =	sand.u32 $0x1, s1  }
0x8c: {  	s17 =	sshll.u32 s0, $0xA;
	s2 =	sadd.s32 s3, s2  }
0x8d: {  	s2 =	sadd.s32 s2, s17  }
0x8e: {  	[smem:$0x3FBB] =	sst s2  }
0x8f: {  	_ = 	snop  }
0x90: {  	s2 =	sld [smem:$0x3FD0];
	(tm) =	ssettm $0x1  }
0x91: {  	s18 =	sld [smem:$0x3FFB];
	_ =	sdelay $0x3  }
0x92: {  	_ =	strace s18  }
0x93: {  	s3 =	sld [smem:$0x3FFC];
	_ =	sdelay $0x3  }
0x94: {  	_ =	strace s3  }
0x95: {  	s3 =	sld [smem:$0x3FFD];
	_ =	sdelay $0x3  }
0x96: {  	_ =	strace s3  }
0x97: {  	_ =	strace $0x8FFFFFFF  }
0x98: {  	s19 =	sld [smem:$0x3FDB];
	_ =	sdelay $0x1  }
0x99: {  	s4 =	simm.s32 $_scs_section_size  }
0x9a: {  	s5 =	simm.s32 $_size__tile_overlayer_lowered;
	s6 =	simm.s32 $_tile_overlayer_lowered  }
0x9b: {  	s22 =	simm.s32 $0x1BFF;
	s21 =	sshll.u32 s6, $0x1;
	s3 =	sadd.s32 s4, s19  }
0x9c: {  	s7 =	simm.s32 $0x0;
	s20 =	sshll.u32 s5, $0x1;
	s5 =	sadd.s32 s21, s3  }
0x9d: {  	[timem:s7], [sflag:s22] =	dma.local [hbm:s5], s20  }
0x9e: {  	_ =	swait.ge [sflag:s22], s20  }
0x9f: {  	s4 =	ssub.s32 $0x0, s20;
	[sflag:s22] =	ssyncset.done $0x0  }
0xa0: {  	[sflag:s22] =	ssyncadd.s32 s4;
	_ =	sdelay $0x1  }
0xa1: {  	s23 =	simm.s32 $0x1B8B  }
0xa2: {  	_ =	swait.ge [sflag:s23], $0x1  }
0xa3: {  	[sflag:s23] =	ssyncset.done $0x0  }
0xa4: {  	s25 =	simm.s32 $0x1B8E;
	s24 =	sld [smem:$0x3FFE];
	[sflag:s23] =	ssyncadd.s32 $0xFFFFFFFF  }
0xa5: {  	s26 =	simm.s32 $execute0_lowered;
	[smem:$0x3FD2] =	sst s25  }
0xa6: {  	s5 =	sshll.u32 s26, $0x1;
	_ =	strace $0x80000049;
	[dreg:$0x1] =	wrdreg $0xFFFFFFFF  }
0xa7: {  	s28 =	simm.s32 $_size_execute0_lowered;
	s3 =	sadd.s32 s3, s5;
	[dreg:$0x0] =	wrdreg $0x0  }
0xa8: {  	s5 =	sshll.u32 s28, $0x1;
	[dreg:$0x2] =	wrdreg s3  }
0xa9: {  	[dreg:$0x3] =	wrdreg s5  }
0xaa: {  	[dreg:$0x4] =	wrdreg $0xC0  }
0xab: {  	_ =	task [dreg:s7], $0x5FFFF  }
0xac: {  	[dreg:$0x1] =	wrdreg $0xFFFFFFFF  }
0xad: {  	[dreg:$0x0] =	wrdreg $0x60  }
0xae: {  	[dreg:$0x2] =	wrdreg s24  }
0xaf: {  	[dreg:$0x3] =	wrdreg s2  }
0xb0: {  	[dreg:$0x4] =	wrdreg $0x90000  }
0xb1: {  	[dreg:$0x5] =	wrdreg $0x9  }
0xb2: {  	_ =	task.clear_ibuf [dreg:s7], $0x6FFFF;
	_ =	strace $0x90000049  }
0xb3: {  	s29 =	simm.s32 $0x9;
	_ =	strace $0x8000004B  }
0xb4: {  	_ =	swait.ge [sflag:s29], $0x1  }
0xb5: {  	[sflag:s29] =	ssyncadd.s32 $0xFFFFFFFF  }
0xb6: {  	_ =	strace $0x9000004B  }
0xb7: {  	_ =	sfence  }
0xb8: {  	s30 =	sld [smem:$0x0];
	_ =	sdelay $0x2  }
0xb9: {  	s31 =	sshll.u32 s1, $0xD;
	s1 =	sshrl.u32 s1, $0x2  }
0xba: {  	s3 =	sand.u32 $0x4000, s31;
	s1 =	sadd.s32 s1, s30  }
0xbb: {  	s0 =	sor.u32 s3, s0;
	s1 =	sshll.u32 s1, $0x11  }
0xbc: {  	s0 =	sor.u32 s1, s0  }
0xbd: {  	s0 =	sadd.s32 $0x8F2B, s0  }
0xbe: {  	[sflag:s0] =	ssyncadd.remote.s32 $0x1  }
0xbf: {  	_ =	sfence.sel $0xFFFF  }
0xc0: {  	[dreg:$0x0] =	wrdreg $0xFFFFFFFF;
	(pc) =	sbr.abs _section_cstart, $3  }
0xc1: {  	[dreg:$0x1] =	wrdreg $0xFFFFFFFF  }
0xc2: {  	_ =	task.clear_ibuf [dreg:s7], $0x2FFFF;
	_ =	strace $0x9FFFFFFF  }
0xc3: {  	(tm) =	ssettm $0x7FFFFFFF  }
tec
execute0_lowered:
.L_overlay_start_1:
0x0: {  	(tag) =	ssettag $0x1  }
0x1: {  	s9 =	rddreg [dreg:$0x0]  }
0x2: {  	s1 =	rddreg [dreg:$0x1]  }
0x3: {  	s2 =	rddreg [dreg:$0x2]  }
0x4: {  	s3 =	srdreg.scid;
	s0 =	rddreg [dreg:$0x3];
	s4 =	simm.s32 $0x0  }
0x5: {  	s12 =	simm.s32 $0x65400;
	s14 =	simm.s32 $0x80;
	s15 =	simm.s32 $0x5000  }
0x6: {  	s16 =	simm.s32 $0x1;
	s17 =	simm.s32 $0x0;
	s6 =	sand.u32 $0x1, s3  }
0x7: {  	s3 =	stileid.u32;
	[smem:$0x7FF] =	sst s4;
	s5 =	sshll.u32 s6, $0x4  }
0x8: {  	s7 =	smul.u32 $0x4F000, s3;
	_ =	strace $0x8000004A;
	s10 =	ssub.s32 $0x2, s6  }
0x9: {  	s31 =	sshll.u32 s3, $0x6;
	p0 =	seq.s32 s6, $0x1;
	s13 =	smul.u32 $0x2780, s3  }
0xa: {  	s5 =	sor.u32 s3, s5;
	s11 =	sshrl.u32 s10, $0x1;
	s6 =	sor.u32 $0x1C02, s31  }
0xb: {  	s12 =	simm.s32 @!p0 $0x3DC00;
	s8 =	smul.u32 $0x500, s5;
	s5 =	sadd.s32 $0x16A00, s9  }
0xc: {  	s7 =	sshrl.u32 s7, $0x2;
	s10 =	ssub.s32 s10, s11;
	s12 =	sadd.s32 s12, s9  }
0xd: {  	s30 =	sadd.s32 s7, s2;
	s8 =	sadd.s32 s8, s9;
	s9 =	smax.u32 s10, $0x1  }
0xe: {  	s10 =	sadd.s32 s12, s13;
	s11 =	sshrl.u32 s30, $0x3;
	s12 =	simm.s32 $0x2  }
0xf: {  	s13 =	simm.s32 $0x2800;
	s7 =	sadd.s32 $0xCA00, s8;
	s8 =	sadd.s32 $0x2A00, s8  }
.LBB2_1:
0x10: {  	[spmem:s11], [sflag:s6] =	dma.local [hbm:s1], $0x2780  }
0x11: {  	_ =	swait.ge [sflag:s12], $0x2780  }
0x12: {  	[sflag:s12] =	ssyncset.done $0x0  }
0x13: {  	[sflag:s12] =	ssyncadd.s32 $0xFFFFD880  }
0x14: {  	[tilespmem:s4], [sflag:$0x2] =	stream.linear.gather [hbm4b:s7+s4], $0x2780, $0x38;
	[tilespmem:$0x1CC00] =	vst v63  }
0x15: {  	_ =	swait.ge [sflag:s12], $0x2780  }
0x16: {  	[sflag:s12] =	ssyncset.done $0x0  }
0x17: {  	[sflag:s12] =	ssyncadd.s32 $0xFFFFD880  }
0x18: {  	[tilespmem:s13], [sflag:$0x2] =	stream.linear.gather [hbm4b:s8+s4], $0x2780, $0x38;
	[tilespmem:$0x1CC00] =	vst v63  }
0x19: {  	_ =	swait.ge [sflag:s12], $0x2780  }
0x1a: {  	[sflag:s12] =	ssyncset.done $0x0  }
0x1b: {  	[sflag:s12] =	ssyncadd.s32 $0xFFFFD880  }
0x1c: {  	s18 =	simm.s32 $0x0;
	[bflag:$0x0] =	sbarrier.arrive $0xFFFF  }
0x1d: {  	[tilespmem:s15], [sflag:$0x1] =	stream.indirect.gather [hbm4b:s5+s14], $0x80, s18, s14, $0xb8;
	[tilespmem:$0x1CC00] =	vst v63  }
0x1e: {  	_ =	swait.ge [sflag:s16], $0x4000  }
0x1f: {  	[sflag:s16] =	ssyncset.done $0x0  }
0x20: {  	s31 =	simm.s32 $0x2800;
	[sflag:s16] =	ssyncadd.s32 $0xFFFFC000  }
0x21: {  	[spmem:s2] =	stream.indirect.scatter.add.f32 [tilespmem:s15], [sflag:$0x2], $0x80, s31, s14, $0xb8;
	[tilespmem:$0x1CC00] =	vst v63  }
0x22: {  	_ =	swait.ge [sflag:s12], $0x4000  }
0x23: {  	s19 =	simm.s32 $0x400;
	s18 =	simm.s32 $0x200;
	[sflag:s12] =	ssyncset.done $0x0  }
.LBB2_2:
0x24: {  	s20 =	sshra.s32 s18, $0x2  }
0x25: {  	[sflag:s12] =	ssyncadd.s32 $0xFFFFC000;
	s18 =	smov.u32 s19;
	s21 =	sadd.s32 $0x200, s19  }
0x26: {  	[tilespmem:s15], [sflag:$0x1] =	stream.indirect.gather [hbm4b:s5+s14], $0x80, s20, s14, $0xb8;
	[tilespmem:$0x1CC00] =	vst v63  }
0x27: {  	p0 =	sne.s32 s19, $0x9C00;
	_ =	swait.ge [sflag:s16], $0x4000  }
.Ltmp0:
0x28: {  	[sflag:s16] =	ssyncset.done $0x0;
	(pc) =	sbr.rel @p0 .LBB2_2-.Ltmp0, $4  }
0x29: {  	s19 =	sadd.s32 $0x2800, s20;
	[sflag:s16] =	ssyncadd.s32 $0xFFFFC000  }
0x2a: {  	[spmem:s2] =	stream.indirect.scatter.add.f32 [tilespmem:s15], [sflag:$0x2], $0x80, s19, s14, $0xb8;
	[tilespmem:$0x1CC00] =	vst v63  }
0x2b: {  	_ =	swait.ge [sflag:s12], $0x4000  }
0x2c: {  	s19 =	smov.u32 s21;
	[sflag:s12] =	ssyncset.done $0x0  }
0x2d: {  	s18 =	sshra.s32 s18, $0x2;
	[sflag:s12] =	ssyncadd.s32 $0xFFFFC000  }
0x2e: {  	[tilespmem:s15], [sflag:$0x1] =	stream.indirect.gather [hbm4b:s5+s14], $0x80, s18, s14, $0xb8;
	[tilespmem:$0x1CC00] =	vst v63  }
0x2f: {  	_ =	swait.ge [sflag:s16], $0x4000  }
0x30: {  	[sflag:s16] =	ssyncset.done $0x0  }
0x31: {  	s18 =	sadd.s32 $0x2800, s18;
	[sflag:s16] =	ssyncadd.s32 $0xFFFFC000  }
0x32: {  	[spmem:s2] =	stream.indirect.scatter.add.f32 [tilespmem:s15], [sflag:$0x2], $0x80, s18, s14, $0xb8;
	[tilespmem:$0x1CC00] =	vst v63  }
0x33: {  	_ =	swait.ge [sflag:s12], $0x4000  }
0x34: {  	s17 =	sadd.s32 $0x1, s17;
	[sflag:s12] =	ssyncset.done $0x0  }
0x35: {  	p0 =	sne.s32 s17, s9;
	[sflag:s12] =	ssyncadd.s32 $0xFFFFC000  }
.Ltmp1:
0x36: {  	[bflag:$0x0] =	sbarrier.arrive $0xFFFF;
	(pc) =	sbr.rel @p0 .LBB2_1-.Ltmp1, $4  }
0x37: {  	[hbm:s10], [sflag:s6] =	dma.local [spmem:s11], $0x2780  }
0x38: {  	_ =	swait.ge [sflag:s12], $0x2780  }
0x39: {  	[sflag:s12] =	ssyncset.done $0x0  }
0x3a: {  	[sflag:s12] =	ssyncadd.s32 $0xFFFFD880  }
0x3b: {  	_ =	sfence.sel $0x180000  }
0x3c: {  	[bflag:$0x0] =	sbarrier.arrive $0xFFFF  }
0x3d: {  	p0 =	sne.s32 s3, $0x0;
	_ =	strace $0x9000004A  }
0x3e: {  	s0 =	sadd.s32 @!p0 $0x100000, s0;
	[bflag:$0x2] =	sbarrier.arrive $0xFFFF  }
0x3f: {  	[sflag:s0] =	ssyncadd.tile.s32 @!p0 $0x1;
	_ =	shalt  }
.Lfunc_end2:
_tile_overlayer_lowered:
.L_overlay_start_2:
0x40: {  	(tag) =	ssettag $0x2  }
0x41: {  	s0 =	rddreg [dreg:$0x0];
	s2 =	stileid.u32  }
0x42: {  	s1 =	rddreg [dreg:$0x1];
	p0 =	sne.s32 s2, $0x0  }
0x43: {  	s3 =	rddreg [dreg:$0x2];
	[bflag:$0x3] =	sbarrier.arrive $0xFFFF;
	s2 =	simm.s32 @!p0 $0x1C02  }
0x44: {  	[timem:s3], [sflag:s2] =	dma.local @!p0 [hbm:s0], s1  }
0x45: {  	s0 =	simm.s32 @!p0 $0x2  }
0x46: {  	_ =	swait.ge @!p0 [sflag:s0], s1  }
0x47: {  	s1 =	ssub.s32 @!p0 $0x0, s1;
	[sflag:s0] =	ssyncset.done @!p0 $0x0  }
0x48: {  	[sflag:s0] =	ssyncadd.s32 @!p0 s1  }
0x49: {  	[bflag:$0x3] =	sbarrier.arrive $0xFFFF  }
0x4a: {  	_ =	shalt  }

// kernel: kernel.15.cloned.1.call-start
scs
__scs_entry_jumppad:
0x0: {  	(pc) =	sbr.rel $0x88, $3  }
0x1: {  	(tag) =	ssettag $0x0;
	lr =	simm.s32 $0x1  }
0x2: {  	[smem:$0x3F94] =	sst lr;
	_ =	strace $0xD0000000  }
0x3: {  	_ = 	snop  }
0x4: {  	_ = 	snop  }
0x5: {  	_ = 	snop  }
0x6: {  	_ = 	snop  }
0x7: {  	_ = 	snop  }
__scs_overlays_trampoline_lowered:
0x8: {  	[smem:$0x3FA3] =	sst s0  }
0x9: {  	[smem:$0x3FA4] =	sst s1  }
0xa: {  	[smem:$0x3FA5] =	sst s2  }
0xb: {  	[smem:$0x3FA6] =	sst s3  }
0xc: {  	[smem:$0x3FA7] =	sst s4  }
0xd: {  	[smem:$0x3FA8] =	sst s5  }
0xe: {  	[smem:$0x3FA9] =	sst s6  }
0xf: {  	[smem:$0x3FAA] =	sst s7  }
0x10: {  	[smem:$0x3FAB] =	sst s8  }
0x11: {  	[smem:$0x3FAC] =	sst s9;
	s0 =	simm.s32 @!p0 $0x0  }
0x12: {  	s1 =	sld [smem:$0x3F92];
	s0 =	simm.s32 @p0 $0x1  }
0x13: {  	[smem:$0x3FAD] =	sst s0;
	s0 =	simm.s32 @!p1 $0x0  }
0x14: {  	s2 =	sld [smem:$0x3F91];
	s0 =	simm.s32 @p1 $0x1  }
0x15: {  	[smem:$0x3FAE] =	sst s0;
	s0 =	simm.s32 @!p2 $0x0  }
0x16: {  	s3 =	sld [smem:$0x3FDB];
	s0 =	simm.s32 @p2 $0x1  }
0x17: {  	s4 =	simm.s32 $0x1BF5;
	[smem:$0x3FB0] =	sst s0  }
0x18: {  	s0 =	sld [smem:$0x3F93];
	_ =	swait.ge [sflag:s4], $0x0  }
0x19: {  	s7 =	sld [smem:$0x3F94]  }
0x1a: {  	s8 =	sadd.s32 $0xFFFFE003, lr  }
0x1b: {  	s9 =	sadd.s32 $0xFFFFFEF7, lr;
	s5 =	simm.s32 $0xFFFFFFFF;
	p2 =	slt.u32 s8, $0xFFFFF086  }
0x1c: {  	p1 =	slt.u32 s9, $0xF7A;
	s5 =	simm.s32 @!p2 $0x0  }
0x1d: {  	s5 =	simm.s32 @p1 $0x1;
	p0 =	seq.s32 s7, s2  }
0x1e: {  	s7 =	smul.u32 @!p0 $0xF7A, s2;
	p2 =	seq.s32 @!p0 s5, $0x0  }
0x1f: {  	s9 =	smul.u32 $0xF7A, s1;
	s8 =	simm.s32 @!p0 $0x1BF5;
	p2 =	por !p2, p0  }
0x20: {  	[sflag:s8] =	ssyncset.s32 @!p0 $0xFFFFF086;
	s6 =	sadd.s32 @!p0 s3, s7;
	s7 =	simm.s32 @!p0 $0x108  }
0x21: {  	s3 =	sadd.s32 s3, s9;
	s6 =	sadd.s32 @!p0 $0x88, s6;
	s7 =	simm.s32 @p2 $0x1082  }
0x22: {  	[simem:s7], [sflag:s8] =	dma.local @!p0 [hbm:s6], $0xF7A  }
0x23: {  	s9 =	sor.u32 $0xD0000000, s2;
	s6 =	simm.s32 $0x108;
	_ =	swait.ge @!p0 [sflag:s8], $0x0  }
0x24: {  	s3 =	sadd.s32 $0x88, s3;
	s6 =	simm.s32 @!p1 $0x1082;
	[sflag:s4] =	ssyncset.s32 $0xFFFFF086  }
0x25: {  	[simem:s6], [sflag:s4] =	dma.local [hbm:s3], $0xF7A  }
0x26: {  	[smem:$0x3F94] =	sst s1;
	(tag) =	ssettag s2;
	_ =	strace s9  }
0x27: {  	s1 =	sld [smem:$0x3FA4]  }
0x28: {  	s2 =	sld [smem:$0x3FA5]  }
0x29: {  	s4 =	sld [smem:$0x3FA7]  }
0x2a: {  	p0 =	seq.s32 s5, $0x0;
	s5 =	sld [smem:$0x3FA8]  }
0x2b: {  	s6 =	sld [smem:$0x3FA9]  }
0x2c: {  	s7 =	sld [smem:$0x3FAA]  }
0x2d: {  	s3 =	simm.s32 $0x108;
	s8 =	sld [smem:$0x3FAB]  }
0x2e: {  	s3 =	simm.s32 @!p0 $0x1082;
	s9 =	sld [smem:$0x3FAC]  }
0x2f: {  	lr =	sadd.s32 s0, s3;
	s0 =	sld [smem:$0x3FA3]  }
0x30: {  	s3 =	sld [smem:$0x3FA6]  }
0x31: {  	[smem:$0x3FAF] =	sst s10  }
0x32: {  	s10 =	sld [smem:$0x3FAD];
	_ =	sdelay $0x3  }
0x33: {  	p0 =	seq.s32 s10, $0x1;
	s10 =	sld [smem:$0x3FAF];
	_ =	sdelay $0x3  }
0x34: {  	[smem:$0x3FAF] =	sst s10  }
0x35: {  	s10 =	sld [smem:$0x3FAE];
	_ =	sdelay $0x3  }
0x36: {  	p1 =	seq.s32 s10, $0x1;
	s10 =	sld [smem:$0x3FAF];
	_ =	sdelay $0x3  }
0x37: {  	[smem:$0x3FAF] =	sst s10  }
0x38: {  	s10 =	sld [smem:$0x3FB0]  }
0x39: {  	_ = 	snop;
	(pc) =	sbr.ind lr, $3  }
0x3a: {  	_ = 	snop  }
0x3b: {  	_ = 	snop  }
0x3c: {  	p2 =	seq.s32 s10, $0x1;
	s10 =	sld [smem:$0x3FAF]  }
0x3d: {  	_ =	shalt  }
0x3e: {  	_ =	shalt  }
0x3f: {  	_ =	shalt  }
0x40: {  	_ =	shalt  }
0x41: {  	_ =	shalt  }
0x42: {  	_ =	shalt  }
0x43: {  	_ =	shalt  }
0x44: {  	_ =	shalt  }
0x45: {  	_ =	shalt  }
0x46: {  	_ =	shalt  }
0x47: {  	_ =	shalt  }
0x48: {  	_ =	shalt  }
0x49: {  	_ =	shalt  }
0x4a: {  	_ =	shalt  }
0x4b: {  	_ =	shalt  }
0x4c: {  	_ =	shalt  }
0x4d: {  	_ =	shalt  }
0x4e: {  	_ =	shalt  }
0x4f: {  	_ =	shalt  }
0x50: {  	_ =	shalt  }
0x51: {  	_ =	shalt  }
0x52: {  	_ =	shalt  }
0x53: {  	_ =	shalt  }
0x54: {  	_ =	shalt  }
0x55: {  	_ =	shalt  }
0x56: {  	_ =	shalt  }
0x57: {  	_ =	shalt  }
0x58: {  	_ =	shalt  }
0x59: {  	_ =	shalt  }
0x5a: {  	_ =	shalt  }
0x5b: {  	_ =	shalt  }
0x5c: {  	_ =	shalt  }
0x5d: {  	_ =	shalt  }
0x5e: {  	_ =	shalt  }
0x5f: {  	_ =	shalt  }
0x60: {  	_ =	shalt  }
0x61: {  	_ =	shalt  }
0x62: {  	_ =	shalt  }
0x63: {  	_ =	shalt  }
0x64: {  	_ =	shalt  }
0x65: {  	_ =	shalt  }
0x66: {  	_ =	shalt  }
0x67: {  	_ =	shalt  }
0x68: {  	_ =	shalt  }
0x69: {  	_ =	shalt  }
0x6a: {  	_ =	shalt  }
0x6b: {  	_ =	shalt  }
0x6c: {  	_ =	shalt  }
0x6d: {  	_ =	shalt  }
0x6e: {  	_ =	shalt  }
0x6f: {  	_ =	shalt  }
0x70: {  	_ =	shalt  }
0x71: {  	_ =	shalt  }
0x72: {  	_ =	shalt  }
0x73: {  	_ =	shalt  }
0x74: {  	_ =	shalt  }
0x75: {  	_ =	shalt  }
0x76: {  	_ =	shalt  }
0x77: {  	_ =	shalt  }
0x78: {  	_ =	shalt  }
0x79: {  	_ =	shalt  }
0x7a: {  	_ =	shalt  }
0x7b: {  	_ =	shalt  }
0x7c: {  	_ =	shalt  }
0x7d: {  	_ =	shalt  }
0x7e: {  	_ =	shalt  }
0x7f: {  	_ =	shalt  }
0x80: {  	_ =	shalt  }
0x81: {  	_ =	shalt  }
0x82: {  	_ =	shalt  }
0x83: {  	_ =	shalt  }
0x84: {  	_ =	shalt  }
0x85: {  	_ =	shalt  }
0x86: {  	_ =	shalt  }
0x87: {  	_ =	shalt  }
.Lfunc_end0:
.L_simem_size_0:
called_computation.2_lowered:
.L_overlay_start_0:
0x88: {  	s2 =	sld [smem:$0x3FD9]  }
0x89: {  	s3 =	sld [smem:$0x3FFE];
	_ =	sdelay $0x1  }
0x8a: {  	s1 =	srdreg.scid  }
0x8b: {  	s0 =	sand.u32 $0x1, s1  }
0x8c: {  	s16 =	sshll.u32 s0, $0xA;
	s2 =	sadd.s32 s3, s2  }
0x8d: {  	s2 =	sadd.s32 s2, s16  }
0x8e: {  	[smem:$0x3FBB] =	sst s2  }
0x8f: {  	_ = 	snop  }
0x90: {  	(tm) =	ssettm $0x1  }
0x91: {  	s17 =	sld [smem:$0x3FFB];
	_ =	sdelay $0x3  }
0x92: {  	_ =	strace s17  }
0x93: {  	s2 =	sld [smem:$0x3FFC];
	_ =	sdelay $0x3  }
0x94: {  	_ =	strace s2  }
0x95: {  	s2 =	sld [smem:$0x3FFD];
	_ =	sdelay $0x3  }
0x96: {  	_ =	strace s2  }
0x97: {  	_ =	strace $0x8FFFFFFF  }
0x98: {  	s18 =	sld [smem:$0x3FDB];
	_ =	sdelay $0x1  }
0x99: {  	s19 =	simm.s32 $_scs_section_size  }
0x9a: {  	s4 =	simm.s32 $_size__tile_overlayer_lowered;
	s5 =	simm.s32 $_tile_overlayer_lowered  }
0x9b: {  	s22 =	simm.s32 $0x1BFF;
	s21 =	sshll.u32 s5, $0x1;
	s2 =	sadd.s32 s19, s18  }
0x9c: {  	s6 =	simm.s32 $0x0;
	s20 =	sshll.u32 s4, $0x1;
	s4 =	sadd.s32 s21, s2  }
0x9d: {  	[timem:s6], [sflag:s22] =	dma.local [hbm:s4], s20  }
0x9e: {  	_ =	swait.ge [sflag:s22], s20  }
0x9f: {  	s3 =	ssub.s32 $0x0, s20;
	[sflag:s22] =	ssyncset.done $0x0  }
0xa0: {  	[sflag:s22] =	ssyncadd.s32 s3;
	_ =	sdelay $0x1  }
0xa1: {  	s23 =	simm.s32 $0x1B8B  }
0xa2: {  	_ =	swait.ge [sflag:s23], $0x1  }
0xa3: {  	[sflag:s23] =	ssyncset.done $0x0  }
0xa4: {  	s25 =	simm.s32 $0x1B8E;
	s24 =	sld [smem:$0x3FFE];
	[sflag:s23] =	ssyncadd.s32 $0xFFFFFFFF  }
0xa5: {  	s26 =	simm.s32 $execute0_lowered;
	[smem:$0x3FD2] =	sst s25  }
0xa6: {  	s4 =	sshll.u32 s26, $0x1;
	_ =	strace $0x8000004C;
	[dreg:$0x1] =	wrdreg $0xFFFFFFFF  }
0xa7: {  	s28 =	simm.s32 $_size_execute0_lowered;
	s2 =	sadd.s32 s2, s4;
	[dreg:$0x0] =	wrdreg $0x0  }
0xa8: {  	s4 =	sshll.u32 s28, $0x1;
	[dreg:$0x2] =	wrdreg s2  }
0xa9: {  	[dreg:$0x3] =	wrdreg s4  }
0xaa: {  	[dreg:$0x4] =	wrdreg $0xC0  }
0xab: {  	_ =	task [dreg:s6], $0x5FFFF  }
0xac: {  	[dreg:$0x1] =	wrdreg $0xFFFFFFFF  }
0xad: {  	[dreg:$0x0] =	wrdreg $0x60  }
0xae: {  	[dreg:$0x2] =	wrdreg s24  }
0xaf: {  	[dreg:$0x3] =	wrdreg $0x9  }
0xb0: {  	_ =	task.clear_ibuf [dreg:s6], $0x4FFFF;
	_ =	strace $0x9000004C  }
0xb1: {  	s29 =	simm.s32 $0x9;
	_ =	strace $0x8000004E  }
0xb2: {  	_ =	swait.ge [sflag:s29], $0x1  }
0xb3: {  	[sflag:s29] =	ssyncadd.s32 $0xFFFFFFFF  }
0xb4: {  	_ =	strace $0x9000004E  }
0xb5: {  	_ =	sfence  }
0xb6: {  	s30 =	sld [smem:$0x0];
	_ =	sdelay $0x2  }
0xb7: {  	s31 =	sshll.u32 s1, $0xD;
	s1 =	sshrl.u32 s1, $0x2  }
0xb8: {  	s3 =	sand.u32 $0x4000, s31;
	s1 =	sadd.s32 s1, s30  }
0xb9: {  	s0 =	sor.u32 s3, s0;
	s1 =	sshll.u32 s1, $0x11  }
0xba: {  	s0 =	sor.u32 s1, s0  }
0xbb: {  	s0 =	sadd.s32 $0x8F2B, s0  }
0xbc: {  	[sflag:s0] =	ssyncadd.remote.s32 $0x1  }
0xbd: {  	_ =	sfence.sel $0xFFFF  }
0xbe: {  	[dreg:$0x0] =	wrdreg $0xFFFFFFFF;
	(pc) =	sbr.abs _section_cstart, $3  }
0xbf: {  	[dreg:$0x1] =	wrdreg $0xFFFFFFFF  }
0xc0: {  	_ =	task.clear_ibuf [dreg:s6], $0x2FFFF;
	_ =	strace $0x9FFFFFFF  }
0xc1: {  	(tm) =	ssettm $0x7FFFFFFF  }
tec
execute0_lowered:
.L_overlay_start_1:
0x0: {  	(tag) =	ssettag $0x1  }
0x1: {  	s5 =	rddreg [dreg:$0x0]  }
0x2: {  	s0 =	rddreg [dreg:$0x1];
	s1 =	simm.s32 $0x0;
	s6 =	srdreg.scid  }
0x3: {  	s2 =	stileid.u32;
	s11 =	simm.s32 $0x1000;
	s12 =	simm.s32 $0x80  }
0x4: {  	s13 =	simm.s32 $0x2000;
	s14 =	simm.s32 $0x6000;
	s15 =	simm.s32 $0x1  }
0x5: {  	s16 =	simm.s32 $0x2;
	s17 =	simm.s32 $0x0;
	[smem:$0x7FF] =	sst s1  }
0x6: {  	s3 =	sadd.s32 $0x2A00, s5;
	s4 =	sadd.s32 $0x29C00, s5;
	s6 =	sand.u32 $0x1, s6  }
0x7: {  	s7 =	sshll.u32 s2, $0x9;
	s30 =	smul.u32 $0xC800, s2;
	s8 =	sshll.u32 s6, $0xD  }
0x8: {  	s9 =	smul.u32 $0xC8000, s6;
	s6 =	ssub.s32 $0x2, s6;
	s7 =	sor.u32 s7, s8  }
0x9: {  	_ =	strace $0x8000004D;
	s31 =	sshrl.u32 s6, $0x1;
	s7 =	sadd.s32 s7, s5  }
0xa: {  	s9 =	sadd.s32 s9, s5;
	s10 =	ssub.s32 s6, s31;
	s5 =	sadd.s32 $0x8CC00, s7  }
0xb: {  	s9 =	sadd.s32 s30, s9;
	s6 =	sadd.s32 $0x90C00, s7;
	s7 =	smax.u32 s10, $0x1  }
0xc: {  	s10 =	simm.s32 $0x3;
	s8 =	sadd.s32 $0x94C00, s9;
	s9 =	sadd.s32 $0x224C00, s9  }
.LBB2_1:
0xd: {  	[tilespmem:s1], [sflag:$0x3] =	stream.linear.gather [hbm4b:s5+s1], $0xC80, $0x38;
	[tilespmem:$0xA000] =	vst v63  }
0xe: {  	_ =	swait.ge [sflag:s10], $0xC80  }
0xf: {  	[sflag:s10] =	ssyncset.done $0x0  }
0x10: {  	[sflag:s10] =	ssyncadd.s32 $0xFFFFF380  }
0x11: {  	[tilespmem:s11], [sflag:$0x3] =	stream.linear.gather [hbm4b:s6+s1], $0xC80, $0x38;
	[tilespmem:$0xA000] =	vst v63  }
0x12: {  	_ =	swait.ge [sflag:s10], $0xC80  }
0x13: {  	[sflag:s10] =	ssyncset.done $0x0  }
0x14: {  	s18 =	simm.s32 $0x0;
	[sflag:s10] =	ssyncadd.s32 $0xFFFFF380  }
0x15: {  	[tilespmem:s13], [sflag:$0x1] =	stream.indirect.gather [hbm4b:s3+s12], $0x80, s18, s12, $0xb8;
	[tilespmem:$0xA000] =	vst v63  }
0x16: {  	s31 =	simm.s32 $0x1000  }
0x17: {  	[tilespmem:s14], [sflag:$0x2] =	stream.indirect.gather [hbm4b:s4+s12], $0x80, s31, s12, $0xb8;
	[tilespmem:$0xA000] =	vst v63  }
0x18: {  	_ =	swait.ge [sflag:s15], $0x4000  }
0x19: {  	[sflag:s15] =	ssyncset.done $0x0  }
0x1a: {  	[sflag:s15] =	ssyncadd.s32 $0xFFFFC000  }
0x1b: {  	[hbm4b:s8+s1] =	stream.linear.scatter [tilespmem:s13], [sflag:$0x3], $0x4000, $0x38;
	[tilespmem:$0xA000] =	vst v63  }
0x1c: {  	_ =	swait.ge [sflag:s10], $0x4000  }
0x1d: {  	[sflag:s10] =	ssyncset.done $0x0  }
0x1e: {  	[sflag:s10] =	ssyncadd.s32 $0xFFFFC000  }
0x1f: {  	_ =	swait.ge [sflag:s16], $0x4000  }
0x20: {  	[sflag:s16] =	ssyncset.done $0x0  }
0x21: {  	[sflag:s16] =	ssyncadd.s32 $0xFFFFC000  }
0x22: {  	[hbm4b:s9+s1] =	stream.linear.scatter [tilespmem:s14], [sflag:$0x3], $0x4000, $0x38;
	[tilespmem:$0xA000] =	vst v63  }
0x23: {  	s20 =	simm.s32 $0x200;
	s21 =	simm.s32 $0x400;
	_ =	swait.ge [sflag:s10], $0x4000  }
0x24: {  	s19 =	sadd.s32 $0x800, s8;
	s18 =	sadd.s32 $0x800, s9;
	[sflag:s10] =	ssyncset.done $0x0  }
.LBB2_2:
0x25: {  	s22 =	sshra.s32 s20, $0x2  }
0x26: {  	[sflag:s10] =	ssyncadd.s32 $0xFFFFC000;
	s20 =	smov.u32 s21;
	s23 =	sadd.s32 $0x200, s21  }
0x27: {  	[tilespmem:s13], [sflag:$0x1] =	stream.indirect.gather [hbm4b:s3+s12], $0x80, s22, s12, $0xb8;
	[tilespmem:$0xA000] =	vst v63  }
0x28: {  	p0 =	sne.s32 s21, $0x3000;
	s21 =	sadd.s32 $0x1000, s22  }
0x29: {  	[tilespmem:s14], [sflag:$0x2] =	stream.indirect.gather [hbm4b:s4+s12], $0x80, s21, s12, $0xb8;
	[tilespmem:$0xA000] =	vst v63  }
0x2a: {  	_ =	swait.ge [sflag:s15], $0x4000  }
0x2b: {  	[sflag:s15] =	ssyncset.done $0x0  }
0x2c: {  	[sflag:s15] =	ssyncadd.s32 $0xFFFFC000  }
0x2d: {  	[hbm4b:s19+s1] =	stream.linear.scatter [tilespmem:s13], [sflag:$0x3], $0x4000, $0x38;
	[tilespmem:$0xA000] =	vst v63  }
0x2e: {  	_ =	swait.ge [sflag:s10], $0x4000  }
0x2f: {  	[sflag:s10] =	ssyncset.done $0x0  }
0x30: {  	[sflag:s10] =	ssyncadd.s32 $0xFFFFC000  }
0x31: {  	_ =	swait.ge [sflag:s16], $0x4000  }
.Ltmp0:
0x32: {  	[sflag:s16] =	ssyncset.done $0x0;
	(pc) =	sbr.rel @p0 .LBB2_2-.Ltmp0, $4  }
0x33: {  	[sflag:s16] =	ssyncadd.s32 $0xFFFFC000  }
0x34: {  	[hbm4b:s18+s1] =	stream.linear.scatter [tilespmem:s14], [sflag:$0x3], $0x4000, $0x38;
	[tilespmem:$0xA000] =	vst v63  }
0x35: {  	s21 =	smov.u32 s23;
	_ =	swait.ge [sflag:s10], $0x4000  }
0x36: {  	s19 =	sadd.s32 $0x800, s19;
	s18 =	sadd.s32 $0x800, s18;
	[sflag:s10] =	ssyncset.done $0x0  }
0x37: {  	s20 =	sshra.s32 s20, $0x2;
	[sflag:s10] =	ssyncadd.s32 $0xFFFFC000  }
0x38: {  	[tilespmem:s13], [sflag:$0x1] =	stream.indirect.gather [hbm4b:s3+s12], $0x80, s20, s12, $0xb8;
	[tilespmem:$0xA000] =	vst v63  }
0x39: {  	s20 =	sadd.s32 $0x1000, s20  }
0x3a: {  	[tilespmem:s14], [sflag:$0x2] =	stream.indirect.gather [hbm4b:s4+s12], $0x80, s20, s12, $0xb8;
	[tilespmem:$0xA000] =	vst v63  }
0x3b: {  	_ =	swait.ge [sflag:s15], $0x4000  }
0x3c: {  	[sflag:s15] =	ssyncset.done $0x0  }
0x3d: {  	[sflag:s15] =	ssyncadd.s32 $0xFFFFC000  }
0x3e: {  	[hbm4b:s19+s1] =	stream.linear.scatter [tilespmem:s13], [sflag:$0x3], $0x4000, $0x38;
	[tilespmem:$0xA000] =	vst v63  }
0x3f: {  	_ =	swait.ge [sflag:s10], $0x4000  }
0x40: {  	[sflag:s10] =	ssyncset.done $0x0  }
0x41: {  	[sflag:s10] =	ssyncadd.s32 $0xFFFFC000  }
0x42: {  	s17 =	sadd.s32 $0x1, s17;
	_ =	swait.ge [sflag:s16], $0x4000  }
0x43: {  	p0 =	sne.s32 s17, s7;
	[sflag:s16] =	ssyncset.done $0x0  }
.Ltmp1:
0x44: {  	[sflag:s16] =	ssyncadd.s32 $0xFFFFC000;
	(pc) =	sbr.rel @p0 .LBB2_1-.Ltmp1, $4  }
0x45: {  	[hbm4b:s18+s1] =	stream.linear.scatter [tilespmem:s14], [sflag:$0x3], $0x4000, $0x38;
	[tilespmem:$0xA000] =	vst v63  }
0x46: {  	_ =	swait.ge [sflag:s10], $0x4000  }
0x47: {  	[sflag:s10] =	ssyncset.done $0x0  }
0x48: {  	[sflag:s10] =	ssyncadd.s32 $0xFFFFC000  }
0x49: {  	_ =	sfence.sel $0x180000  }
0x4a: {  	[bflag:$0x0] =	sbarrier.arrive $0xFFFF  }
0x4b: {  	p0 =	sne.s32 s2, $0x0;
	_ =	strace $0x9000004D  }
0x4c: {  	s0 =	sadd.s32 @!p0 $0x100000, s0;
	[bflag:$0x2] =	sbarrier.arrive $0xFFFF  }
0x4d: {  	[sflag:s0] =	ssyncadd.tile.s32 @!p0 $0x1;
	_ =	shalt  }
.Lfunc_end2:
_tile_overlayer_lowered:
.L_overlay_start_2:
0x4e: {  	(tag) =	ssettag $0x2  }
0x4f: {  	s0 =	rddreg [dreg:$0x0];
	s2 =	stileid.u32  }
0x50: {  	s1 =	rddreg [dreg:$0x1];
	p0 =	sne.s32 s2, $0x0  }
0x51: {  	s3 =	rddreg [dreg:$0x2];
	[bflag:$0x3] =	sbarrier.arrive $0xFFFF;
	s2 =	simm.s32 @!p0 $0x1C03  }
0x52: {  	[timem:s3], [sflag:s2] =	dma.local @!p0 [hbm:s0], s1  }
0x53: {  	s0 =	simm.s32 @!p0 $0x3  }
0x54: {  	_ =	swait.ge @!p0 [sflag:s0], s1  }
0x55: {  	s1 =	ssub.s32 @!p0 $0x0, s1;
	[sflag:s0] =	ssyncset.done @!p0 $0x0  }
0x56: {  	[sflag:s0] =	ssyncadd.s32 @!p0 s1  }
0x57: {  	[bflag:$0x3] =	sbarrier.arrive $0xFFFF  }
0x58: {  	_ =	shalt  }

// kernel: kernel.9.cloned.1.call-start
scs
__scs_entry_jumppad:
0x0: {  	(pc) =	sbr.rel $0x88, $3  }
0x1: {  	(tag) =	ssettag $0x0;
	lr =	simm.s32 $0x1  }
0x2: {  	[smem:$0x3F94] =	sst lr;
	_ =	strace $0xD0000000  }
0x3: {  	_ = 	snop  }
0x4: {  	_ = 	snop  }
0x5: {  	_ = 	snop  }
0x6: {  	_ = 	snop  }
0x7: {  	_ = 	snop  }
__scs_overlays_trampoline_lowered:
0x8: {  	[smem:$0x3FA3] =	sst s0  }
0x9: {  	[smem:$0x3FA4] =	sst s1  }
0xa: {  	[smem:$0x3FA5] =	sst s2  }
0xb: {  	[smem:$0x3FA6] =	sst s3  }
0xc: {  	[smem:$0x3FA7] =	sst s4  }
0xd: {  	[smem:$0x3FA8] =	sst s5  }
0xe: {  	[smem:$0x3FA9] =	sst s6  }
0xf: {  	[smem:$0x3FAA] =	sst s7  }
0x10: {  	[smem:$0x3FAB] =	sst s8  }
0x11: {  	[smem:$0x3FAC] =	sst s9;
	s0 =	simm.s32 @!p0 $0x0  }
0x12: {  	s1 =	sld [smem:$0x3F92];
	s0 =	simm.s32 @p0 $0x1  }
0x13: {  	[smem:$0x3FAD] =	sst s0;
	s0 =	simm.s32 @!p1 $0x0  }
0x14: {  	s2 =	sld [smem:$0x3F91];
	s0 =	simm.s32 @p1 $0x1  }
0x15: {  	[smem:$0x3FAE] =	sst s0;
	s0 =	simm.s32 @!p2 $0x0  }
0x16: {  	s3 =	sld [smem:$0x3FDB];
	s0 =	simm.s32 @p2 $0x1  }
0x17: {  	s4 =	simm.s32 $0x1BF5;
	[smem:$0x3FB0] =	sst s0  }
0x18: {  	s0 =	sld [smem:$0x3F93];
	_ =	swait.ge [sflag:s4], $0x0  }
0x19: {  	s7 =	sld [smem:$0x3F94]  }
0x1a: {  	s8 =	sadd.s32 $0xFFFFE003, lr  }
0x1b: {  	s9 =	sadd.s32 $0xFFFFFEF7, lr;
	s5 =	simm.s32 $0xFFFFFFFF;
	p2 =	slt.u32 s8, $0xFFFFF086  }
0x1c: {  	p1 =	slt.u32 s9, $0xF7A;
	s5 =	simm.s32 @!p2 $0x0  }
0x1d: {  	s5 =	simm.s32 @p1 $0x1;
	p0 =	seq.s32 s7, s2  }
0x1e: {  	s7 =	smul.u32 @!p0 $0xF7A, s2;
	p2 =	seq.s32 @!p0 s5, $0x0  }
0x1f: {  	s9 =	smul.u32 $0xF7A, s1;
	s8 =	simm.s32 @!p0 $0x1BF5;
	p2 =	por !p2, p0  }
0x20: {  	[sflag:s8] =	ssyncset.s32 @!p0 $0xFFFFF086;
	s6 =	sadd.s32 @!p0 s3, s7;
	s7 =	simm.s32 @!p0 $0x108  }
0x21: {  	s3 =	sadd.s32 s3, s9;
	s6 =	sadd.s32 @!p0 $0x88, s6;
	s7 =	simm.s32 @p2 $0x1082  }
0x22: {  	[simem:s7], [sflag:s8] =	dma.local @!p0 [hbm:s6], $0xF7A  }
0x23: {  	s9 =	sor.u32 $0xD0000000, s2;
	s6 =	simm.s32 $0x108;
	_ =	swait.ge @!p0 [sflag:s8], $0x0  }
0x24: {  	s3 =	sadd.s32 $0x88, s3;
	s6 =	simm.s32 @!p1 $0x1082;
	[sflag:s4] =	ssyncset.s32 $0xFFFFF086  }
0x25: {  	[simem:s6], [sflag:s4] =	dma.local [hbm:s3], $0xF7A  }
0x26: {  	[smem:$0x3F94] =	sst s1;
	(tag) =	ssettag s2;
	_ =	strace s9  }
0x27: {  	s1 =	sld [smem:$0x3FA4]  }
0x28: {  	s2 =	sld [smem:$0x3FA5]  }
0x29: {  	s4 =	sld [smem:$0x3FA7]  }
0x2a: {  	p0 =	seq.s32 s5, $0x0;
	s5 =	sld [smem:$0x3FA8]  }
0x2b: {  	s6 =	sld [smem:$0x3FA9]  }
0x2c: {  	s7 =	sld [smem:$0x3FAA]  }
0x2d: {  	s3 =	simm.s32 $0x108;
	s8 =	sld [smem:$0x3FAB]  }
0x2e: {  	s3 =	simm.s32 @!p0 $0x1082;
	s9 =	sld [smem:$0x3FAC]  }
0x2f: {  	lr =	sadd.s32 s0, s3;
	s0 =	sld [smem:$0x3FA3]  }
0x30: {  	s3 =	sld [smem:$0x3FA6]  }
0x31: {  	[smem:$0x3FAF] =	sst s10  }
0x32: {  	s10 =	sld [smem:$0x3FAD];
	_ =	sdelay $0x3  }
0x33: {  	p0 =	seq.s32 s10, $0x1;
	s10 =	sld [smem:$0x3FAF];
	_ =	sdelay $0x3  }
0x34: {  	[smem:$0x3FAF] =	sst s10  }
0x35: {  	s10 =	sld [smem:$0x3FAE];
	_ =	sdelay $0x3  }
0x36: {  	p1 =	seq.s32 s10, $0x1;
	s10 =	sld [smem:$0x3FAF];
	_ =	sdelay $0x3  }
0x37: {  	[smem:$0x3FAF] =	sst s10  }
0x38: {  	s10 =	sld [smem:$0x3FB0]  }
0x39: {  	_ = 	snop;
	(pc) =	sbr.ind lr, $3  }
0x3a: {  	_ = 	snop  }
0x3b: {  	_ = 	snop  }
0x3c: {  	p2 =	seq.s32 s10, $0x1;
	s10 =	sld [smem:$0x3FAF]  }
0x3d: {  	_ =	shalt  }
0x3e: {  	_ =	shalt  }
0x3f: {  	_ =	shalt  }
0x40: {  	_ =	shalt  }
0x41: {  	_ =	shalt  }
0x42: {  	_ =	shalt  }
0x43: {  	_ =	shalt  }
0x44: {  	_ =	shalt  }
0x45: {  	_ =	shalt  }
0x46: {  	_ =	shalt  }
0x47: {  	_ =	shalt  }
0x48: {  	_ =	shalt  }
0x49: {  	_ =	shalt  }
0x4a: {  	_ =	shalt  }
0x4b: {  	_ =	shalt  }
0x4c: {  	_ =	shalt  }
0x4d: {  	_ =	shalt  }
0x4e: {  	_ =	shalt  }
0x4f: {  	_ =	shalt  }
0x50: {  	_ =	shalt  }
0x51: {  	_ =	shalt  }
0x52: {  	_ =	shalt  }
0x53: {  	_ =	shalt  }
0x54: {  	_ =	shalt  }
0x55: {  	_ =	shalt  }
0x56: {  	_ =	shalt  }
0x57: {  	_ =	shalt  }
0x58: {  	_ =	shalt  }
0x59: {  	_ =	shalt  }
0x5a: {  	_ =	shalt  }
0x5b: {  	_ =	shalt  }
0x5c: {  	_ =	shalt  }
0x5d: {  	_ =	shalt  }
0x5e: {  	_ =	shalt  }
0x5f: {  	_ =	shalt  }
0x60: {  	_ =	shalt  }
0x61: {  	_ =	shalt  }
0x62: {  	_ =	shalt  }
0x63: {  	_ =	shalt  }
0x64: {  	_ =	shalt  }
0x65: {  	_ =	shalt  }
0x66: {  	_ =	shalt  }
0x67: {  	_ =	shalt  }
0x68: {  	_ =	shalt  }
0x69: {  	_ =	shalt  }
0x6a: {  	_ =	shalt  }
0x6b: {  	_ =	shalt  }
0x6c: {  	_ =	shalt  }
0x6d: {  	_ =	shalt  }
0x6e: {  	_ =	shalt  }
0x6f: {  	_ =	shalt  }
0x70: {  	_ =	shalt  }
0x71: {  	_ =	shalt  }
0x72: {  	_ =	shalt  }
0x73: {  	_ =	shalt  }
0x74: {  	_ =	shalt  }
0x75: {  	_ =	shalt  }
0x76: {  	_ =	shalt  }
0x77: {  	_ =	shalt  }
0x78: {  	_ =	shalt  }
0x79: {  	_ =	shalt  }
0x7a: {  	_ =	shalt  }
0x7b: {  	_ =	shalt  }
0x7c: {  	_ =	shalt  }
0x7d: {  	_ =	shalt  }
0x7e: {  	_ =	shalt  }
0x7f: {  	_ =	shalt  }
0x80: {  	_ =	shalt  }
0x81: {  	_ =	shalt  }
0x82: {  	_ =	shalt  }
0x83: {  	_ =	shalt  }
0x84: {  	_ =	shalt  }
0x85: {  	_ =	shalt  }
0x86: {  	_ =	shalt  }
0x87: {  	_ =	shalt  }
.Lfunc_end0:
.L_simem_size_0:
called_computation_lowered:
.L_overlay_start_0:
0x88: {  	s2 =	sld [smem:$0x3FD9]  }
0x89: {  	s3 =	sld [smem:$0x3FFE];
	_ =	sdelay $0x1  }
0x8a: {  	s1 =	srdreg.scid  }
0x8b: {  	s0 =	sand.u32 $0x1, s1  }
0x8c: {  	s17 =	sshll.u32 s0, $0xA;
	s2 =	sadd.s32 s3, s2  }
0x8d: {  	s2 =	sadd.s32 s2, s17  }
0x8e: {  	[smem:$0x3FBB] =	sst s2  }
0x8f: {  	_ = 	snop  }
0x90: {  	s2 =	sld [smem:$0x3FC9]  }
0x91: {  	s18 =	sld [smem:$0x3FD0];
	(tm) =	ssettm $0x1  }
0x92: {  	s4 =	sld [smem:$0x3FFB];
	_ =	sdelay $0x3  }
0x93: {  	_ =	strace s4  }
0x94: {  	s4 =	sld [smem:$0x3FFC];
	_ =	sdelay $0x3  }
0x95: {  	_ =	strace s4  }
0x96: {  	s4 =	sld [smem:$0x3FFD];
	_ =	sdelay $0x3  }
0x97: {  	_ =	strace s4  }
0x98: {  	_ =	strace $0x8FFFFFFF  }
0x99: {  	s19 =	sld [smem:$0x3FDB];
	_ =	sdelay $0x1  }
0x9a: {  	s5 =	simm.s32 $_scs_section_size  }
0x9b: {  	s6 =	simm.s32 $_size__tile_overlayer_lowered;
	s7 =	simm.s32 $_tile_overlayer_lowered  }
0x9c: {  	s22 =	simm.s32 $0x1BFF;
	s21 =	sshll.u32 s7, $0x1;
	s4 =	sadd.s32 s5, s19  }
0x9d: {  	s8 =	simm.s32 $0x0;
	s20 =	sshll.u32 s6, $0x1;
	s6 =	sadd.s32 s21, s4  }
0x9e: {  	[timem:s8], [sflag:s22] =	dma.local [hbm:s6], s20  }
0x9f: {  	_ =	swait.ge [sflag:s22], s20  }
0xa0: {  	s5 =	ssub.s32 $0x0, s20;
	[sflag:s22] =	ssyncset.done $0x0  }
0xa1: {  	[sflag:s22] =	ssyncadd.s32 s5;
	_ =	sdelay $0x1  }
0xa2: {  	s23 =	simm.s32 $0x1B8B  }
0xa3: {  	_ =	swait.ge [sflag:s23], $0x1  }
0xa4: {  	[sflag:s23] =	ssyncset.done $0x0  }
0xa5: {  	s25 =	simm.s32 $0x1B8E;
	s24 =	sld [smem:$0x3FFE];
	[sflag:s23] =	ssyncadd.s32 $0xFFFFFFFF  }
0xa6: {  	s26 =	simm.s32 $execute0_lowered;
	[smem:$0x3FD2] =	sst s25  }
0xa7: {  	s6 =	sshll.u32 s26, $0x1;
	_ =	strace $0x80000046;
	[dreg:$0x1] =	wrdreg $0xFFFFFFFF  }
0xa8: {  	s28 =	simm.s32 $_size_execute0_lowered;
	s4 =	sadd.s32 s4, s6;
	[dreg:$0x0] =	wrdreg $0x0  }
0xa9: {  	s6 =	sshll.u32 s28, $0x1;
	[dreg:$0x2] =	wrdreg s4  }
0xaa: {  	[dreg:$0x3] =	wrdreg s6  }
0xab: {  	[dreg:$0x4] =	wrdreg $0xC0  }
0xac: {  	_ =	task [dreg:s8], $0x5FFFF  }
0xad: {  	[dreg:$0x1] =	wrdreg $0xFFFFFFFF  }
0xae: {  	[dreg:$0x0] =	wrdreg $0x60  }
0xaf: {  	[dreg:$0x2] =	wrdreg s2  }
0xb0: {  	[dreg:$0x3] =	wrdreg s24  }
0xb1: {  	[dreg:$0x4] =	wrdreg s18  }
0xb2: {  	[dreg:$0x5] =	wrdreg $0x90000  }
0xb3: {  	[dreg:$0x6] =	wrdreg $0x9  }
0xb4: {  	_ =	task.clear_ibuf [dreg:s8], $0x7FFFF;
	_ =	strace $0x90000046  }
0xb5: {  	s29 =	simm.s32 $0x9;
	_ =	strace $0x80000048  }
0xb6: {  	_ =	swait.ge [sflag:s29], $0x1  }
0xb7: {  	[sflag:s29] =	ssyncadd.s32 $0xFFFFFFFF  }
0xb8: {  	_ =	strace $0x90000048  }
0xb9: {  	_ =	sfence  }
0xba: {  	s30 =	sld [smem:$0x0];
	_ =	sdelay $0x2  }
0xbb: {  	s31 =	sshll.u32 s1, $0xD;
	s1 =	sshrl.u32 s1, $0x2  }
0xbc: {  	s3 =	sand.u32 $0x4000, s31;
	s1 =	sadd.s32 s1, s30  }
0xbd: {  	s0 =	sor.u32 s3, s0;
	s1 =	sshll.u32 s1, $0x11  }
0xbe: {  	s0 =	sor.u32 s1, s0  }
0xbf: {  	s0 =	sadd.s32 $0x8F2B, s0  }
0xc0: {  	[sflag:s0] =	ssyncadd.remote.s32 $0x1  }
0xc1: {  	_ =	sfence.sel $0xFFFF  }
0xc2: {  	[dreg:$0x0] =	wrdreg $0xFFFFFFFF;
	(pc) =	sbr.abs _section_cstart, $3  }
0xc3: {  	[dreg:$0x1] =	wrdreg $0xFFFFFFFF  }
0xc4: {  	_ =	task.clear_ibuf [dreg:s8], $0x2FFFF;
	_ =	strace $0x9FFFFFFF  }
0xc5: {  	(tm) =	ssettm $0x7FFFFFFF  }
tec
execute0_lowered:
.L_overlay_start_1:
0x0: {  	(tag) =	ssettag $0x1  }
0x1: {  	s1 =	rddreg [dreg:$0x0]  }
0x2: {  	s9 =	rddreg [dreg:$0x1]  }
0x3: {  	s2 =	rddreg [dreg:$0x2];
	s0 =	srdreg.scid  }
0x4: {  	s4 =	rddreg [dreg:$0x3];
	s3 =	stileid.u32  }
0x5: {  	s5 =	simm.s32 $0x0;
	s13 =	simm.s32 $0x3E200;
	s15 =	simm.s32 $0x5000  }
0x6: {  	s16 =	simm.s32 $0x1;
	s6 =	sand.u32 $0x1, s0;
	s0 =	rddreg [dreg:$0x4]  }
0x7: {  	s17 =	simm.s32 $0x0;
	s8 =	smul.u32 $0x4F000, s3;
	[smem:$0x7FF] =	sst s5  }
0x8: {  	s30 =	sshll.u32 s3, $0x6;
	s14 =	smul.u32 $0x2780, s3;
	s7 =	sshll.u32 s6, $0x4  }
0x9: {  	s10 =	ssub.s32 $0x2, s6;
	_ =	strace $0x80000047;
	p0 =	seq.s32 s6, $0x1  }
0xa: {  	s6 =	sor.u32 $0x1C02, s30;
	s7 =	sor.u32 s3, s7;
	s11 =	sshrl.u32 s10, $0x1  }
0xb: {  	s8 =	sshrl.u32 s8, $0x2;
	s13 =	simm.s32 @!p0 $0x16A00;
	s7 =	smul.u32 $0x500, s7  }
0xc: {  	s10 =	ssub.s32 s10, s11;
	s29 =	sadd.s32 s8, s4;
	s31 =	sadd.s32 s13, s9  }
0xd: {  	s13 =	simm.s32 $0x2800;
	s11 =	sshrl.u32 s29, $0x3;
	s12 =	sadd.s32 s7, s9  }
0xe: {  	s9 =	smax.u32 s10, $0x1;
	s10 =	sadd.s32 s31, s14;
	s14 =	simm.s32 $0x80  }
0xf: {  	s7 =	sadd.s32 $0xCA00, s12;
	s8 =	sadd.s32 $0x2A00, s12;
	s12 =	simm.s32 $0x2  }
.LBB2_1:
0x10: {  	[spmem:s11], [sflag:s6] =	dma.local [hbm:s2], $0x2780  }
0x11: {  	_ =	swait.ge [sflag:s12], $0x2780  }
0x12: {  	[sflag:s12] =	ssyncset.done $0x0  }
0x13: {  	[sflag:s12] =	ssyncadd.s32 $0xFFFFD880  }
0x14: {  	[tilespmem:s5], [sflag:$0x2] =	stream.linear.gather [hbm4b:s7+s5], $0x2780, $0x38;
	[tilespmem:$0x1CC00] =	vst v63  }
0x15: {  	_ =	swait.ge [sflag:s12], $0x2780  }
0x16: {  	[sflag:s12] =	ssyncset.done $0x0  }
0x17: {  	[sflag:s12] =	ssyncadd.s32 $0xFFFFD880  }
0x18: {  	[tilespmem:s13], [sflag:$0x2] =	stream.linear.gather [hbm4b:s8+s5], $0x2780, $0x38;
	[tilespmem:$0x1CC00] =	vst v63  }
0x19: {  	_ =	swait.ge [sflag:s12], $0x2780  }
0x1a: {  	[sflag:s12] =	ssyncset.done $0x0  }
0x1b: {  	[sflag:s12] =	ssyncadd.s32 $0xFFFFD880  }
0x1c: {  	s18 =	simm.s32 $0x0;
	[bflag:$0x0] =	sbarrier.arrive $0xFFFF  }
0x1d: {  	[tilespmem:s15], [sflag:$0x1] =	stream.indirect.gather [hbm4b:s1+s14], $0x80, s18, s14, $0xb8;
	[tilespmem:$0x1CC00] =	vst v63  }
0x1e: {  	_ =	swait.ge [sflag:s16], $0x4000  }
0x1f: {  	[sflag:s16] =	ssyncset.done $0x0  }
0x20: {  	s31 =	simm.s32 $0x2800;
	[sflag:s16] =	ssyncadd.s32 $0xFFFFC000  }
0x21: {  	[spmem:s4] =	stream.indirect.scatter.add.f32 [tilespmem:s15], [sflag:$0x2], $0x80, s31, s14, $0xb8;
	[tilespmem:$0x1CC00] =	vst v63  }
0x22: {  	_ =	swait.ge [sflag:s12], $0x4000  }
0x23: {  	s19 =	simm.s32 $0x400;
	s18 =	simm.s32 $0x200;
	[sflag:s12] =	ssyncset.done $0x0  }
.LBB2_2:
0x24: {  	s20 =	sshra.s32 s18, $0x2  }
0x25: {  	[sflag:s12] =	ssyncadd.s32 $0xFFFFC000;
	s18 =	smov.u32 s19;
	s21 =	sadd.s32 $0x200, s19  }
0x26: {  	[tilespmem:s15], [sflag:$0x1] =	stream.indirect.gather [hbm4b:s1+s14], $0x80, s20, s14, $0xb8;
	[tilespmem:$0x1CC00] =	vst v63  }
0x27: {  	p0 =	sne.s32 s19, $0x9C00;
	_ =	swait.ge [sflag:s16], $0x4000  }
.Ltmp0:
0x28: {  	[sflag:s16] =	ssyncset.done $0x0;
	(pc) =	sbr.rel @p0 .LBB2_2-.Ltmp0, $4  }
0x29: {  	s19 =	sadd.s32 $0x2800, s20;
	[sflag:s16] =	ssyncadd.s32 $0xFFFFC000  }
0x2a: {  	[spmem:s4] =	stream.indirect.scatter.add.f32 [tilespmem:s15], [sflag:$0x2], $0x80, s19, s14, $0xb8;
	[tilespmem:$0x1CC00] =	vst v63  }
0x2b: {  	_ =	swait.ge [sflag:s12], $0x4000  }
0x2c: {  	s19 =	smov.u32 s21;
	[sflag:s12] =	ssyncset.done $0x0  }
0x2d: {  	s18 =	sshra.s32 s18, $0x2;
	[sflag:s12] =	ssyncadd.s32 $0xFFFFC000  }
0x2e: {  	[tilespmem:s15], [sflag:$0x1] =	stream.indirect.gather [hbm4b:s1+s14], $0x80, s18, s14, $0xb8;
	[tilespmem:$0x1CC00] =	vst v63  }
0x2f: {  	_ =	swait.ge [sflag:s16], $0x4000  }
0x30: {  	[sflag:s16] =	ssyncset.done $0x0  }
0x31: {  	s18 =	sadd.s32 $0x2800, s18;
	[sflag:s16] =	ssyncadd.s32 $0xFFFFC000  }
0x32: {  	[spmem:s4] =	stream.indirect.scatter.add.f32 [tilespmem:s15], [sflag:$0x2], $0x80, s18, s14, $0xb8;
	[tilespmem:$0x1CC00] =	vst v63  }
0x33: {  	_ =	swait.ge [sflag:s12], $0x4000  }
0x34: {  	s17 =	sadd.s32 $0x1, s17;
	[sflag:s12] =	ssyncset.done $0x0  }
0x35: {  	p0 =	sne.s32 s17, s9;
	[sflag:s12] =	ssyncadd.s32 $0xFFFFC000  }
.Ltmp1:
0x36: {  	[bflag:$0x0] =	sbarrier.arrive $0xFFFF;
	(pc) =	sbr.rel @p0 .LBB2_1-.Ltmp1, $4  }
0x37: {  	[hbm:s10], [sflag:s6] =	dma.local [spmem:s11], $0x2780  }
0x38: {  	_ =	swait.ge [sflag:s12], $0x2780  }
0x39: {  	[sflag:s12] =	ssyncset.done $0x0  }
0x3a: {  	[sflag:s12] =	ssyncadd.s32 $0xFFFFD880  }
0x3b: {  	_ =	sfence.sel $0x180000  }
0x3c: {  	[bflag:$0x0] =	sbarrier.arrive $0xFFFF  }
0x3d: {  	p0 =	sne.s32 s3, $0x0;
	_ =	strace $0x90000047  }
0x3e: {  	s0 =	sadd.s32 @!p0 $0x100000, s0;
	[bflag:$0x2] =	sbarrier.arrive $0xFFFF  }
0x3f: {  	[sflag:s0] =	ssyncadd.tile.s32 @!p0 $0x1;
	_ =	shalt  }
.Lfunc_end2:
_tile_overlayer_lowered:
.L_overlay_start_2:
0x40: {  	(tag) =	ssettag $0x2  }
0x41: {  	s0 =	rddreg [dreg:$0x0];
	s2 =	stileid.u32  }
0x42: {  	s1 =	rddreg [dreg:$0x1];
	p0 =	sne.s32 s2, $0x0  }
0x43: {  	s3 =	rddreg [dreg:$0x2];
	[bflag:$0x3] =	sbarrier.arrive $0xFFFF;
	s2 =	simm.s32 @!p0 $0x1C02  }
0x44: {  	[timem:s3], [sflag:s2] =	dma.local @!p0 [hbm:s0], s1  }
0x45: {  	s0 =	simm.s32 @!p0 $0x2  }
0x46: {  	_ =	swait.ge @!p0 [sflag:s0], s1  }
0x47: {  	s1 =	ssub.s32 @!p0 $0x0, s1;
	[sflag:s0] =	ssyncset.done @!p0 $0x0  }
0x48: {  	[sflag:s0] =	ssyncadd.s32 @!p0 s1  }
0x49: {  	[bflag:$0x3] =	sbarrier.arrive $0xFFFF  }
0x4a: {  	_ =	shalt  }

</sc_bundles>
